<compile_context>
chip_gen: v7x
topology: tpu7x:2x2x1
jax: 0.10.2.dev20260603
libtpu: 0.0.44.dev20260713+nightly
codegen_flags: <defaults>
</compile_context>

<pallas_src>
import functools

import jax
import jax.numpy as jnp
from jax import lax
from jax.experimental import pallas as pl
from jax.experimental.pallas import tpu as pltpu
from jax.experimental.pallas import tpu_sc as plsc

N_LAYERS = 24
K = 6
OUT_NUM = 2
INV_TEMP = 2.0
B = 8
PADDED = 32


def _tree(op, xs):
    while len(xs) > 1:
        xs = [op(xs[i], xs[i + 1]) for i in range(0, len(xs) - 1, 2)] + (
            [xs[-1]] if len(xs) % 2 else [])
    return xs[0]


def _gate_body(scores_hbm, out_hbm, col_v, out_v):
    c = lax.axis_index("s")
    pltpu.sync_copy(scores_hbm.at[c], col_v)
    v0 = col_v[pl.ds(0, 16)]
    v1 = col_v[pl.ds(16, 16)]
    iota = lax.iota(jnp.int32, 16)
    one = jnp.full((16,), 1.0, jnp.float32)
    zero = jnp.full((16,), 0.0, jnp.float32)
    sj = [v0[j] if j < 16 else v1[j - 16] for j in range(N_LAYERS)]
    rank0 = zero
    rank1 = zero
    for j in range(N_LAYERS):
        bj = one * sj[j]
        rank0 = rank0 + jnp.where(
            (bj > v0) | ((bj == v0) & (iota > j)), one, zero)
        rank1 = rank1 + jnp.where(
            (bj > v1) | ((bj == v1) & (iota + 16 > j)), one, zero)
    valid1 = iota < (N_LAYERS - 16)
    keep0 = rank0 < float(K)
    keep1 = (rank1 < float(K)) & valid1
    m = _tree(jnp.maximum, sj)
    e0 = jnp.where(keep0, jnp.exp((v0 - m) * INV_TEMP), zero)
    e1 = jnp.where(keep1, jnp.exp((jnp.where(valid1, v1, m) - m) * INV_TEMP),
                   zero)
    lanes = [e0[j] for j in range(16)] + [e1[j] for j in range(8)]
    total = one * _tree(jnp.add, lanes)
    g0 = e0 / total
    g1 = e1 / total
    for b in range(B):
        out_v[pl.ds(b * PADDED, 16)] = g0
        out_v[pl.ds(b * PADDED + 16, 16)] = g1
    pltpu.sync_copy(out_v, out_hbm.at[c])


_gate_kernel = functools.partial(
    pl.kernel,
    out_type=jax.ShapeDtypeStruct((OUT_NUM, B * PADDED), jnp.float32),
    mesh=plsc.VectorSubcoreMesh(
        core_axis_name="c", subcore_axis_name="s",
        num_cores=1, num_subcores=OUT_NUM),
    scratch_types=[
        pltpu.VMEM((PADDED,), jnp.float32),
        pltpu.VMEM((B * PADDED,), jnp.float32),
    ],
)(_gate_body)


def kernel(X, scores):
    del X
    st = jnp.pad(scores.T, ((0, 0), (0, PADDED - N_LAYERS)))
    out = _gate_kernel(st).reshape(OUT_NUM, B, PADDED)
    return out[:, :, :N_LAYERS].transpose(1, 2, 0)

# --- scband reference (transcript-rebuilt; emitter-appended) ---
"""Pipeline reference for scband-learnable-gate-20675972563617 (READ-ONLY COPY).

The authoritative reference and input builder live on the scoring server;
editing this copy changes nothing except your own understanding.
"""

import jax, jax.numpy as jnp
import numpy as np

N_LAYERS = 24
K = 6
OUT_NUM = 2
TEMPERATURE = 0.5


def setup_inputs(seed: int = 0) -> dict:
    key = jax.random.key(seed)
    k1, k2 = jax.random.split(key)
    X = jax.random.normal(k1, (8, N_LAYERS, 768, 16, 16), dtype=jnp.float32)
    # learned parameter: scores ~ Uniform(0, 1) per torch.nn.init.uniform_(a=0, b=1)
    scores = jax.random.uniform(k2, (N_LAYERS, OUT_NUM), dtype=jnp.float32, minval=0.0, maxval=1.0)
    return {"X": X, "scores": scores}


def reference(X, scores):
    B = X.shape[0]
    n, out_num = scores.shape
    assert n == N_LAYERS
    # expand scores over batch
    scores_exp = jnp.broadcast_to(scores[None, :, :], (B, n, out_num))
    soft_scores = jax.nn.softmax(scores_exp / TEMPERATURE, axis=1)
    # top-k along the layer axis (dim=1): move it to last axis for lax.top_k
    soft_t = jnp.transpose(soft_scores, (0, 2, 1))  # [B, out_num, n]
    _, topk_idx = jax.lax.top_k(soft_t, K)  # [B, out_num, K]
    # build a 0/1 scatter mask at (b, topk_idx, c); top-k indices are distinct
    mask = jax.nn.one_hot(topk_idx, n, dtype=soft_scores.dtype).sum(axis=2)  # [B, out_num, n]
    mask = jnp.transpose(mask, (0, 2, 1))  # [B, n, out_num]
    sparse_scores = soft_scores * mask
    # straight-through estimator: value == sparse_scores, grad flows through scores
    gates = sparse_scores - jax.lax.stop_gradient(scores_exp) + scores_exp
    gates = gates / jnp.sum(gates, axis=1, keepdims=True)
    return gates

if __name__ == "__main__":
    import jax
    _d = setup_inputs()
    print(jax.jit(kernel)(*tuple(_d.values())))

</pallas_src>

<mosaic_0001>
#map = affine_map<(d0, d1) -> (0, 0)>
module attributes {stable_mosaic.version = 14 : i64} {
  func.func @_gate_body(%arg0: i32, %arg1: i32, %arg2: memref<2x32xf32, #tpu.memory_space<hbm>>, %arg3: memref<2x256xf32, #tpu.memory_space<hbm>>, %arg4: memref<32xf32, #tpu.memory_space<vmem>>, %arg5: memref<256xf32, #tpu.memory_space<vmem>>) attributes {dimension_semantics = [#tpu.dimension_semantics<core_parallel>, #tpu.dimension_semantics<subcore_parallel>], iteration_bounds = array<i64: 1, 2>, scalar_prefetch = 0 : i64, scratch_operands = 2 : i64, tpu.core_type = #tpu.core_type<sc_vector_subcore>, window_params = [{transform_indices = #map}, {transform_indices = #map}]} {
    "tpu.region"() ({
      %run_scoped3A = tpu.sem_alloc : memref<!tpu.dma_semaphore, #tpu.memory_space<semaphore_mem>>
      %dma_start3A = arith.constant 0 : i32
      %dma_start3A_781 = tpu.memref_slice %arg2[%arg1, %dma_start3A] : memref<2x32xf32, #tpu.memory_space<hbm>> -> memref<1x32xf32, #tpu.memory_space<hbm>>
      %dma_start3A_782 = tpu.memref_squeeze %dma_start3A_781 : memref<1x32xf32, #tpu.memory_space<hbm>> -> memref<32xf32, #tpu.memory_space<hbm>>
      %dma_start3A_783 = arith.constant 0 : i32
      %dma_start3A_784 = tpu.memref_slice %arg2[%arg1, %dma_start3A_783] : memref<2x32xf32, #tpu.memory_space<hbm>> -> memref<1x32xf32, #tpu.memory_space<hbm>>
      %dma_start3A_785 = tpu.memref_squeeze %dma_start3A_784 : memref<1x32xf32, #tpu.memory_space<hbm>> -> memref<32xf32, #tpu.memory_space<hbm>>
      tpu.enqueue_dma source(%dma_start3A_785 : memref<32xf32, #tpu.memory_space<hbm>>) target(%arg4 : memref<32xf32, #tpu.memory_space<vmem>>) target_semaphore(%run_scoped3A : memref<!tpu.dma_semaphore, #tpu.memory_space<semaphore_mem>>)
      %dma_wait3A = arith.constant 0 : i32
      %dma_wait3A_786 = tpu.memref_slice %arg2[%arg1, %dma_wait3A] : memref<2x32xf32, #tpu.memory_space<hbm>> -> memref<1x32xf32, #tpu.memory_space<hbm>>
      %dma_wait3A_787 = tpu.memref_squeeze %dma_wait3A_786 : memref<1x32xf32, #tpu.memory_space<hbm>> -> memref<32xf32, #tpu.memory_space<hbm>>
      %dma_wait3A_788 = arith.constant 0 : i32
      %dma_wait3A_789 = tpu.memref_slice %arg2[%arg1, %dma_wait3A_788] : memref<2x32xf32, #tpu.memory_space<hbm>> -> memref<1x32xf32, #tpu.memory_space<hbm>>
      %dma_wait3A_790 = tpu.memref_squeeze %dma_wait3A_789 : memref<1x32xf32, #tpu.memory_space<hbm>> -> memref<32xf32, #tpu.memory_space<hbm>>
      tpu.wait_dma2 semaphore(%run_scoped3A : memref<!tpu.dma_semaphore, #tpu.memory_space<semaphore_mem>>) src(%dma_wait3A_790 : memref<32xf32, #tpu.memory_space<hbm>>) dst(%arg4 : memref<32xf32, #tpu.memory_space<vmem>>)
      tpu.yield
    }) : () -> ()
    %get3A = arith.constant 0 : index
    %get3A_0 = tpu.vector_load %arg4[%get3A] {strides = array<i32>} : memref<32xf32, #tpu.memory_space<vmem>>, vector<16xf32>,
    %get3A_1 = vector.shape_cast %get3A_0 : vector<16xf32> to vector<16xf32>
    %get3A_2 = arith.constant 16 : index
    %get3A_3 = tpu.vector_load %arg4[%get3A_2] {strides = array<i32>} : memref<32xf32, #tpu.memory_space<vmem>>, vector<16xf32>,
    %get3A_4 = vector.shape_cast %get3A_3 : vector<16xf32> to vector<16xf32>
    %iota3A = tpu.iota {dimensions = array<i32: 0>} : vector<16xi32>
    %broadcast_in_dim3A = arith.constant 1.000000e+00 : f32
    %broadcast_in_dim3A_5 = vector.broadcast %broadcast_in_dim3A : f32 to vector<16xf32>
    %broadcast_in_dim3A_6 = arith.constant 0.000000e+00 : f32
    %broadcast_in_dim3A_7 = vector.broadcast %broadcast_in_dim3A_6 : f32 to vector<16xf32>
    %slice3A = vector.extract_strided_slice %get3A_1 {offsets = [0], sizes = [1], strides = [1]} : vector<16xf32> to vector<1xf32>
    %squeeze3A = vector.extract %slice3A[0] : f32 from vector<1xf32>
    %slice3A_8 = vector.extract_strided_slice %get3A_1 {offsets = [1], sizes = [1], strides = [1]} : vector<16xf32> to vector<1xf32>
    %squeeze3A_9 = vector.extract %slice3A_8[0] : f32 from vector<1xf32>
    %slice3A_10 = vector.extract_strided_slice %get3A_1 {offsets = [2], sizes = [1], strides = [1]} : vector<16xf32> to vector<1xf32>
    %squeeze3A_11 = vector.extract %slice3A_10[0] : f32 from vector<1xf32>
    %slice3A_12 = vector.extract_strided_slice %get3A_1 {offsets = [3], sizes = [1], strides = [1]} : vector<16xf32> to vector<1xf32>
    %squeeze3A_13 = vector.extract %slice3A_12[0] : f32 from vector<1xf32>
    %slice3A_14 = vector.extract_strided_slice %get3A_1 {offsets = [4], sizes = [1], strides = [1]} : vector<16xf32> to vector<1xf32>
    %squeeze3A_15 = vector.extract %slice3A_14[0] : f32 from vector<1xf32>
    %slice3A_16 = vector.extract_strided_slice %get3A_1 {offsets = [5], sizes = [1], strides = [1]} : vector<16xf32> to vector<1xf32>
    %squeeze3A_17 = vector.extract %slice3A_16[0] : f32 from vector<1xf32>
    %slice3A_18 = vector.extract_strided_slice %get3A_1 {offsets = [6], sizes = [1], strides = [1]} : vector<16xf32> to vector<1xf32>
    %squeeze3A_19 = vector.extract %slice3A_18[0] : f32 from vector<1xf32>
    %slice3A_20 = vector.extract_strided_slice %get3A_1 {offsets = [7], sizes = [1], strides = [1]} : vector<16xf32> to vector<1xf32>
    %squeeze3A_21 = vector.extract %slice3A_20[0] : f32 from vector<1xf32>
    %slice3A_22 = vector.extract_strided_slice %get3A_1 {offsets = [8], sizes = [1], strides = [1]} : vector<16xf32> to vector<1xf32>
    %squeeze3A_23 = vector.extract %slice3A_22[0] : f32 from vector<1xf32>
    %slice3A_24 = vector.extract_strided_slice %get3A_1 {offsets = [9], sizes = [1], strides = [1]} : vector<16xf32> to vector<1xf32>
    %squeeze3A_25 = vector.extract %slice3A_24[0] : f32 from vector<1xf32>
    %slice3A_26 = vector.extract_strided_slice %get3A_1 {offsets = [10], sizes = [1], strides = [1]} : vector<16xf32> to vector<1xf32>
    %squeeze3A_27 = vector.extract %slice3A_26[0] : f32 from vector<1xf32>
    %slice3A_28 = vector.extract_strided_slice %get3A_1 {offsets = [11], sizes = [1], strides = [1]} : vector<16xf32> to vector<1xf32>
    %squeeze3A_29 = vector.extract %slice3A_28[0] : f32 from vector<1xf32>
    %slice3A_30 = vector.extract_strided_slice %get3A_1 {offsets = [12], sizes = [1], strides = [1]} : vector<16xf32> to vector<1xf32>
    %squeeze3A_31 = vector.extract %slice3A_30[0] : f32 from vector<1xf32>
    %slice3A_32 = vector.extract_strided_slice %get3A_1 {offsets = [13], sizes = [1], strides = [1]} : vector<16xf32> to vector<1xf32>
    %squeeze3A_33 = vector.extract %slice3A_32[0] : f32 from vector<1xf32>
    %slice3A_34 = vector.extract_strided_slice %get3A_1 {offsets = [14], sizes = [1], strides = [1]} : vector<16xf32> to vector<1xf32>
    %squeeze3A_35 = vector.extract %slice3A_34[0] : f32 from vector<1xf32>
    %slice3A_36 = vector.extract_strided_slice %get3A_1 {offsets = [15], sizes = [1], strides = [1]} : vector<16xf32> to vector<1xf32>
    %squeeze3A_37 = vector.extract %slice3A_36[0] : f32 from vector<1xf32>
    %slice3A_38 = vector.extract_strided_slice %get3A_4 {offsets = [0], sizes = [1], strides = [1]} : vector<16xf32> to vector<1xf32>
    %squeeze3A_39 = vector.extract %slice3A_38[0] : f32 from vector<1xf32>
    %slice3A_40 = vector.extract_strided_slice %get3A_4 {offsets = [1], sizes = [1], strides = [1]} : vector<16xf32> to vector<1xf32>
    %squeeze3A_41 = vector.extract %slice3A_40[0] : f32 from vector<1xf32>
    %slice3A_42 = vector.extract_strided_slice %get3A_4 {offsets = [2], sizes = [1], strides = [1]} : vector<16xf32> to vector<1xf32>
    %squeeze3A_43 = vector.extract %slice3A_42[0] : f32 from vector<1xf32>
    %slice3A_44 = vector.extract_strided_slice %get3A_4 {offsets = [3], sizes = [1], strides = [1]} : vector<16xf32> to vector<1xf32>
    %squeeze3A_45 = vector.extract %slice3A_44[0] : f32 from vector<1xf32>
    %slice3A_46 = vector.extract_strided_slice %get3A_4 {offsets = [4], sizes = [1], strides = [1]} : vector<16xf32> to vector<1xf32>
    %squeeze3A_47 = vector.extract %slice3A_46[0] : f32 from vector<1xf32>
    %slice3A_48 = vector.extract_strided_slice %get3A_4 {offsets = [5], sizes = [1], strides = [1]} : vector<16xf32> to vector<1xf32>
    %squeeze3A_49 = vector.extract %slice3A_48[0] : f32 from vector<1xf32>
    %slice3A_50 = vector.extract_strided_slice %get3A_4 {offsets = [6], sizes = [1], strides = [1]} : vector<16xf32> to vector<1xf32>
    %squeeze3A_51 = vector.extract %slice3A_50[0] : f32 from vector<1xf32>
    %slice3A_52 = vector.extract_strided_slice %get3A_4 {offsets = [7], sizes = [1], strides = [1]} : vector<16xf32> to vector<1xf32>
    %squeeze3A_53 = vector.extract %slice3A_52[0] : f32 from vector<1xf32>
    %mul3A = vector.broadcast %squeeze3A : f32 to vector<16xf32>
    %mul3A_54 = arith.mulf %broadcast_in_dim3A_5, %mul3A : vector<16xf32>
    %gt3A = arith.cmpf ogt, %mul3A_54, %get3A_1 : vector<16xf32>
    %eq3A = arith.cmpf oeq, %mul3A_54, %get3A_1 : vector<16xf32>
    %gt3A_55 = arith.constant 0 : i32
    %gt3A_56 = vector.broadcast %gt3A_55 : i32 to vector<16xi32>
    %gt3A_57 = arith.cmpi sgt, %iota3A, %gt3A_56 : vector<16xi32>
    %and3A = arith.andi %eq3A, %gt3A_57 : vector<16xi1>
    %or3A = arith.ori %gt3A, %and3A : vector<16xi1>
    %select_n3A = arith.select %or3A, %broadcast_in_dim3A_5, %broadcast_in_dim3A_7 : vector<16xi1>, vector<16xf32>
    %add3A = arith.addf %broadcast_in_dim3A_7, %select_n3A : vector<16xf32>
    %gt3A_58 = arith.cmpf ogt, %mul3A_54, %get3A_4 : vector<16xf32>
    %eq3A_59 = arith.cmpf oeq, %mul3A_54, %get3A_4 : vector<16xf32>
    %add3A_60 = arith.constant 16 : i32
    %add3A_61 = vector.broadcast %add3A_60 : i32 to vector<16xi32>
    %add3A_62 = arith.addi %iota3A, %add3A_61 : vector<16xi32>
    %gt3A_63 = arith.constant 0 : i32
    %gt3A_64 = vector.broadcast %gt3A_63 : i32 to vector<16xi32>
    %gt3A_65 = arith.cmpi sgt, %add3A_62, %gt3A_64 : vector<16xi32>
    %and3A_66 = arith.andi %eq3A_59, %gt3A_65 : vector<16xi1>
    %or3A_67 = arith.ori %gt3A_58, %and3A_66 : vector<16xi1>
    %select_n3A_68 = arith.select %or3A_67, %broadcast_in_dim3A_5, %broadcast_in_dim3A_7 : vector<16xi1>, vector<16xf32>
    %add3A_69 = arith.addf %broadcast_in_dim3A_7, %select_n3A_68 : vector<16xf32>
    %mul3A_70 = vector.broadcast %squeeze3A_9 : f32 to vector<16xf32>
    %mul3A_71 = arith.mulf %broadcast_in_dim3A_5, %mul3A_70 : vector<16xf32>
    %gt3A_72 = arith.cmpf ogt, %mul3A_71, %get3A_1 : vector<16xf32>
    %eq3A_73 = arith.cmpf oeq, %mul3A_71, %get3A_1 : vector<16xf32>
    %gt3A_74 = arith.constant 1 : i32
    %gt3A_75 = vector.broadcast %gt3A_74 : i32 to vector<16xi32>
    %gt3A_76 = arith.cmpi sgt, %iota3A, %gt3A_75 : vector<16xi32>
    %and3A_77 = arith.andi %eq3A_73, %gt3A_76 : vector<16xi1>
    %or3A_78 = arith.ori %gt3A_72, %and3A_77 : vector<16xi1>
    %select_n3A_79 = arith.select %or3A_78, %broadcast_in_dim3A_5, %broadcast_in_dim3A_7 : vector<16xi1>, vector<16xf32>
    %add3A_80 = arith.addf %add3A, %select_n3A_79 : vector<16xf32>
    %gt3A_81 = arith.cmpf ogt, %mul3A_71, %get3A_4 : vector<16xf32>
    %eq3A_82 = arith.cmpf oeq, %mul3A_71, %get3A_4 : vector<16xf32>
    %add3A_83 = arith.constant 16 : i32
    %add3A_84 = vector.broadcast %add3A_83 : i32 to vector<16xi32>
    %add3A_85 = arith.addi %iota3A, %add3A_84 : vector<16xi32>
    %gt3A_86 = arith.constant 1 : i32
    %gt3A_87 = vector.broadcast %gt3A_86 : i32 to vector<16xi32>
    %gt3A_88 = arith.cmpi sgt, %add3A_85, %gt3A_87 : vector<16xi32>
    %and3A_89 = arith.andi %eq3A_82, %gt3A_88 : vector<16xi1>
    %or3A_90 = arith.ori %gt3A_81, %and3A_89 : vector<16xi1>
    %select_n3A_91 = arith.select %or3A_90, %broadcast_in_dim3A_5, %broadcast_in_dim3A_7 : vector<16xi1>, vector<16xf32>
    %add3A_92 = arith.addf %add3A_69, %select_n3A_91 : vector<16xf32>
    %mul3A_93 = vector.broadcast %squeeze3A_11 : f32 to vector<16xf32>
    %mul3A_94 = arith.mulf %broadcast_in_dim3A_5, %mul3A_93 : vector<16xf32>
    %gt3A_95 = arith.cmpf ogt, %mul3A_94, %get3A_1 : vector<16xf32>
    %eq3A_96 = arith.cmpf oeq, %mul3A_94, %get3A_1 : vector<16xf32>
    %gt3A_97 = arith.constant 2 : i32
    %gt3A_98 = vector.broadcast %gt3A_97 : i32 to vector<16xi32>
    %gt3A_99 = arith.cmpi sgt, %iota3A, %gt3A_98 : vector<16xi32>
    %and3A_100 = arith.andi %eq3A_96, %gt3A_99 : vector<16xi1>
    %or3A_101 = arith.ori %gt3A_95, %and3A_100 : vector<16xi1>
    %select_n3A_102 = arith.select %or3A_101, %broadcast_in_dim3A_5, %broadcast_in_dim3A_7 : vector<16xi1>, vector<16xf32>
    %add3A_103 = arith.addf %add3A_80, %select_n3A_102 : vector<16xf32>
    %gt3A_104 = arith.cmpf ogt, %mul3A_94, %get3A_4 : vector<16xf32>
    %eq3A_105 = arith.cmpf oeq, %mul3A_94, %get3A_4 : vector<16xf32>
    %add3A_106 = arith.constant 16 : i32
    %add3A_107 = vector.broadcast %add3A_106 : i32 to vector<16xi32>
    %add3A_108 = arith.addi %iota3A, %add3A_107 : vector<16xi32>
    %gt3A_109 = arith.constant 2 : i32
    %gt3A_110 = vector.broadcast %gt3A_109 : i32 to vector<16xi32>
    %gt3A_111 = arith.cmpi sgt, %add3A_108, %gt3A_110 : vector<16xi32>
    %and3A_112 = arith.andi %eq3A_105, %gt3A_111 : vector<16xi1>
    %or3A_113 = arith.ori %gt3A_104, %and3A_112 : vector<16xi1>
    %select_n3A_114 = arith.select %or3A_113, %broadcast_in_dim3A_5, %broadcast_in_dim3A_7 : vector<16xi1>, vector<16xf32>
    %add3A_115 = arith.addf %add3A_92, %select_n3A_114 : vector<16xf32>
    %mul3A_116 = vector.broadcast %squeeze3A_13 : f32 to vector<16xf32>
    %mul3A_117 = arith.mulf %broadcast_in_dim3A_5, %mul3A_116 : vector<16xf32>
    %gt3A_118 = arith.cmpf ogt, %mul3A_117, %get3A_1 : vector<16xf32>
    %eq3A_119 = arith.cmpf oeq, %mul3A_117, %get3A_1 : vector<16xf32>
    %gt3A_120 = arith.constant 3 : i32
    %gt3A_121 = vector.broadcast %gt3A_120 : i32 to vector<16xi32>
    %gt3A_122 = arith.cmpi sgt, %iota3A, %gt3A_121 : vector<16xi32>
    %and3A_123 = arith.andi %eq3A_119, %gt3A_122 : vector<16xi1>
    %or3A_124 = arith.ori %gt3A_118, %and3A_123 : vector<16xi1>
    %select_n3A_125 = arith.select %or3A_124, %broadcast_in_dim3A_5, %broadcast_in_dim3A_7 : vector<16xi1>, vector<16xf32>
    %add3A_126 = arith.addf %add3A_103, %select_n3A_125 : vector<16xf32>
    %gt3A_127 = arith.cmpf ogt, %mul3A_117, %get3A_4 : vector<16xf32>
    %eq3A_128 = arith.cmpf oeq, %mul3A_117, %get3A_4 : vector<16xf32>
    %add3A_129 = arith.constant 16 : i32
    %add3A_130 = vector.broadcast %add3A_129 : i32 to vector<16xi32>
    %add3A_131 = arith.addi %iota3A, %add3A_130 : vector<16xi32>
    %gt3A_132 = arith.constant 3 : i32
    %gt3A_133 = vector.broadcast %gt3A_132 : i32 to vector<16xi32>
    %gt3A_134 = arith.cmpi sgt, %add3A_131, %gt3A_133 : vector<16xi32>
    %and3A_135 = arith.andi %eq3A_128, %gt3A_134 : vector<16xi1>
    %or3A_136 = arith.ori %gt3A_127, %and3A_135 : vector<16xi1>
    %select_n3A_137 = arith.select %or3A_136, %broadcast_in_dim3A_5, %broadcast_in_dim3A_7 : vector<16xi1>, vector<16xf32>
    %add3A_138 = arith.addf %add3A_115, %select_n3A_137 : vector<16xf32>
    %mul3A_139 = vector.broadcast %squeeze3A_15 : f32 to vector<16xf32>
    %mul3A_140 = arith.mulf %broadcast_in_dim3A_5, %mul3A_139 : vector<16xf32>
    %gt3A_141 = arith.cmpf ogt, %mul3A_140, %get3A_1 : vector<16xf32>
    %eq3A_142 = arith.cmpf oeq, %mul3A_140, %get3A_1 : vector<16xf32>
    %gt3A_143 = arith.constant 4 : i32
    %gt3A_144 = vector.broadcast %gt3A_143 : i32 to vector<16xi32>
    %gt3A_145 = arith.cmpi sgt, %iota3A, %gt3A_144 : vector<16xi32>
    %and3A_146 = arith.andi %eq3A_142, %gt3A_145 : vector<16xi1>
    %or3A_147 = arith.ori %gt3A_141, %and3A_146 : vector<16xi1>
    %select_n3A_148 = arith.select %or3A_147, %broadcast_in_dim3A_5, %broadcast_in_dim3A_7 : vector<16xi1>, vector<16xf32>
    %add3A_149 = arith.addf %add3A_126, %select_n3A_148 : vector<16xf32>
    %gt3A_150 = arith.cmpf ogt, %mul3A_140, %get3A_4 : vector<16xf32>
    %eq3A_151 = arith.cmpf oeq, %mul3A_140, %get3A_4 : vector<16xf32>
    %add3A_152 = arith.constant 16 : i32
    %add3A_153 = vector.broadcast %add3A_152 : i32 to vector<16xi32>
    %add3A_154 = arith.addi %iota3A, %add3A_153 : vector<16xi32>
    %gt3A_155 = arith.constant 4 : i32
    %gt3A_156 = vector.broadcast %gt3A_155 : i32 to vector<16xi32>
    %gt3A_157 = arith.cmpi sgt, %add3A_154, %gt3A_156 : vector<16xi32>
    %and3A_158 = arith.andi %eq3A_151, %gt3A_157 : vector<16xi1>
    %or3A_159 = arith.ori %gt3A_150, %and3A_158 : vector<16xi1>
    %select_n3A_160 = arith.select %or3A_159, %broadcast_in_dim3A_5, %broadcast_in_dim3A_7 : vector<16xi1>, vector<16xf32>
    %add3A_161 = arith.addf %add3A_138, %select_n3A_160 : vector<16xf32>
    %mul3A_162 = vector.broadcast %squeeze3A_17 : f32 to vector<16xf32>
    %mul3A_163 = arith.mulf %broadcast_in_dim3A_5, %mul3A_162 : vector<16xf32>
    %gt3A_164 = arith.cmpf ogt, %mul3A_163, %get3A_1 : vector<16xf32>
    %eq3A_165 = arith.cmpf oeq, %mul3A_163, %get3A_1 : vector<16xf32>
    %gt3A_166 = arith.constant 5 : i32
    %gt3A_167 = vector.broadcast %gt3A_166 : i32 to vector<16xi32>
    %gt3A_168 = arith.cmpi sgt, %iota3A, %gt3A_167 : vector<16xi32>
    %and3A_169 = arith.andi %eq3A_165, %gt3A_168 : vector<16xi1>
    %or3A_170 = arith.ori %gt3A_164, %and3A_169 : vector<16xi1>
    %select_n3A_171 = arith.select %or3A_170, %broadcast_in_dim3A_5, %broadcast_in_dim3A_7 : vector<16xi1>, vector<16xf32>
    %add3A_172 = arith.addf %add3A_149, %select_n3A_171 : vector<16xf32>
    %gt3A_173 = arith.cmpf ogt, %mul3A_163, %get3A_4 : vector<16xf32>
    %eq3A_174 = arith.cmpf oeq, %mul3A_163, %get3A_4 : vector<16xf32>
    %add3A_175 = arith.constant 16 : i32
    %add3A_176 = vector.broadcast %add3A_175 : i32 to vector<16xi32>
    %add3A_177 = arith.addi %iota3A, %add3A_176 : vector<16xi32>
    %gt3A_178 = arith.constant 5 : i32
    %gt3A_179 = vector.broadcast %gt3A_178 : i32 to vector<16xi32>
    %gt3A_180 = arith.cmpi sgt, %add3A_177, %gt3A_179 : vector<16xi32>
    %and3A_181 = arith.andi %eq3A_174, %gt3A_180 : vector<16xi1>
    %or3A_182 = arith.ori %gt3A_173, %and3A_181 : vector<16xi1>
    %select_n3A_183 = arith.select %or3A_182, %broadcast_in_dim3A_5, %broadcast_in_dim3A_7 : vector<16xi1>, vector<16xf32>
    %add3A_184 = arith.addf %add3A_161, %select_n3A_183 : vector<16xf32>
    %mul3A_185 = vector.broadcast %squeeze3A_19 : f32 to vector<16xf32>
    %mul3A_186 = arith.mulf %broadcast_in_dim3A_5, %mul3A_185 : vector<16xf32>
    %gt3A_187 = arith.cmpf ogt, %mul3A_186, %get3A_1 : vector<16xf32>
    %eq3A_188 = arith.cmpf oeq, %mul3A_186, %get3A_1 : vector<16xf32>
    %gt3A_189 = arith.constant 6 : i32
    %gt3A_190 = vector.broadcast %gt3A_189 : i32 to vector<16xi32>
    %gt3A_191 = arith.cmpi sgt, %iota3A, %gt3A_190 : vector<16xi32>
    %and3A_192 = arith.andi %eq3A_188, %gt3A_191 : vector<16xi1>
    %or3A_193 = arith.ori %gt3A_187, %and3A_192 : vector<16xi1>
    %select_n3A_194 = arith.select %or3A_193, %broadcast_in_dim3A_5, %broadcast_in_dim3A_7 : vector<16xi1>, vector<16xf32>
    %add3A_195 = arith.addf %add3A_172, %select_n3A_194 : vector<16xf32>
    %gt3A_196 = arith.cmpf ogt, %mul3A_186, %get3A_4 : vector<16xf32>
    %eq3A_197 = arith.cmpf oeq, %mul3A_186, %get3A_4 : vector<16xf32>
    %add3A_198 = arith.constant 16 : i32
    %add3A_199 = vector.broadcast %add3A_198 : i32 to vector<16xi32>
    %add3A_200 = arith.addi %iota3A, %add3A_199 : vector<16xi32>
    %gt3A_201 = arith.constant 6 : i32
    %gt3A_202 = vector.broadcast %gt3A_201 : i32 to vector<16xi32>
    %gt3A_203 = arith.cmpi sgt, %add3A_200, %gt3A_202 : vector<16xi32>
    %and3A_204 = arith.andi %eq3A_197, %gt3A_203 : vector<16xi1>
    %or3A_205 = arith.ori %gt3A_196, %and3A_204 : vector<16xi1>
    %select_n3A_206 = arith.select %or3A_205, %broadcast_in_dim3A_5, %broadcast_in_dim3A_7 : vector<16xi1>, vector<16xf32>
    %add3A_207 = arith.addf %add3A_184, %select_n3A_206 : vector<16xf32>
    %mul3A_208 = vector.broadcast %squeeze3A_21 : f32 to vector<16xf32>
    %mul3A_209 = arith.mulf %broadcast_in_dim3A_5, %mul3A_208 : vector<16xf32>
    %gt3A_210 = arith.cmpf ogt, %mul3A_209, %get3A_1 : vector<16xf32>
    %eq3A_211 = arith.cmpf oeq, %mul3A_209, %get3A_1 : vector<16xf32>
    %gt3A_212 = arith.constant 7 : i32
    %gt3A_213 = vector.broadcast %gt3A_212 : i32 to vector<16xi32>
    %gt3A_214 = arith.cmpi sgt, %iota3A, %gt3A_213 : vector<16xi32>
    %and3A_215 = arith.andi %eq3A_211, %gt3A_214 : vector<16xi1>
    %or3A_216 = arith.ori %gt3A_210, %and3A_215 : vector<16xi1>
    %select_n3A_217 = arith.select %or3A_216, %broadcast_in_dim3A_5, %broadcast_in_dim3A_7 : vector<16xi1>, vector<16xf32>
    %add3A_218 = arith.addf %add3A_195, %select_n3A_217 : vector<16xf32>
    %gt3A_219 = arith.cmpf ogt, %mul3A_209, %get3A_4 : vector<16xf32>
    %eq3A_220 = arith.cmpf oeq, %mul3A_209, %get3A_4 : vector<16xf32>
    %add3A_221 = arith.constant 16 : i32
    %add3A_222 = vector.broadcast %add3A_221 : i32 to vector<16xi32>
    %add3A_223 = arith.addi %iota3A, %add3A_222 : vector<16xi32>
    %gt3A_224 = arith.constant 7 : i32
    %gt3A_225 = vector.broadcast %gt3A_224 : i32 to vector<16xi32>
    %gt3A_226 = arith.cmpi sgt, %add3A_223, %gt3A_225 : vector<16xi32>
    %and3A_227 = arith.andi %eq3A_220, %gt3A_226 : vector<16xi1>
    %or3A_228 = arith.ori %gt3A_219, %and3A_227 : vector<16xi1>
    %select_n3A_229 = arith.select %or3A_228, %broadcast_in_dim3A_5, %broadcast_in_dim3A_7 : vector<16xi1>, vector<16xf32>
    %add3A_230 = arith.addf %add3A_207, %select_n3A_229 : vector<16xf32>
    %mul3A_231 = vector.broadcast %squeeze3A_23 : f32 to vector<16xf32>
    %mul3A_232 = arith.mulf %broadcast_in_dim3A_5, %mul3A_231 : vector<16xf32>
    %gt3A_233 = arith.cmpf ogt, %mul3A_232, %get3A_1 : vector<16xf32>
    %eq3A_234 = arith.cmpf oeq, %mul3A_232, %get3A_1 : vector<16xf32>
    %gt3A_235 = arith.constant 8 : i32
    %gt3A_236 = vector.broadcast %gt3A_235 : i32 to vector<16xi32>
    %gt3A_237 = arith.cmpi sgt, %iota3A, %gt3A_236 : vector<16xi32>
    %and3A_238 = arith.andi %eq3A_234, %gt3A_237 : vector<16xi1>
    %or3A_239 = arith.ori %gt3A_233, %and3A_238 : vector<16xi1>
    %select_n3A_240 = arith.select %or3A_239, %broadcast_in_dim3A_5, %broadcast_in_dim3A_7 : vector<16xi1>, vector<16xf32>
    %add3A_241 = arith.addf %add3A_218, %select_n3A_240 : vector<16xf32>
    %gt3A_242 = arith.cmpf ogt, %mul3A_232, %get3A_4 : vector<16xf32>
    %eq3A_243 = arith.cmpf oeq, %mul3A_232, %get3A_4 : vector<16xf32>
    %add3A_244 = arith.constant 16 : i32
    %add3A_245 = vector.broadcast %add3A_244 : i32 to vector<16xi32>
    %add3A_246 = arith.addi %iota3A, %add3A_245 : vector<16xi32>
    %gt3A_247 = arith.constant 8 : i32
    %gt3A_248 = vector.broadcast %gt3A_247 : i32 to vector<16xi32>
    %gt3A_249 = arith.cmpi sgt, %add3A_246, %gt3A_248 : vector<16xi32>
    %and3A_250 = arith.andi %eq3A_243, %gt3A_249 : vector<16xi1>
    %or3A_251 = arith.ori %gt3A_242, %and3A_250 : vector<16xi1>
    %select_n3A_252 = arith.select %or3A_251, %broadcast_in_dim3A_5, %broadcast_in_dim3A_7 : vector<16xi1>, vector<16xf32>
    %add3A_253 = arith.addf %add3A_230, %select_n3A_252 : vector<16xf32>
    %mul3A_254 = vector.broadcast %squeeze3A_25 : f32 to vector<16xf32>
    %mul3A_255 = arith.mulf %broadcast_in_dim3A_5, %mul3A_254 : vector<16xf32>
    %gt3A_256 = arith.cmpf ogt, %mul3A_255, %get3A_1 : vector<16xf32>
    %eq3A_257 = arith.cmpf oeq, %mul3A_255, %get3A_1 : vector<16xf32>
    %gt3A_258 = arith.constant 9 : i32
    %gt3A_259 = vector.broadcast %gt3A_258 : i32 to vector<16xi32>
    %gt3A_260 = arith.cmpi sgt, %iota3A, %gt3A_259 : vector<16xi32>
    %and3A_261 = arith.andi %eq3A_257, %gt3A_260 : vector<16xi1>
    %or3A_262 = arith.ori %gt3A_256, %and3A_261 : vector<16xi1>
    %select_n3A_263 = arith.select %or3A_262, %broadcast_in_dim3A_5, %broadcast_in_dim3A_7 : vector<16xi1>, vector<16xf32>
    %add3A_264 = arith.addf %add3A_241, %select_n3A_263 : vector<16xf32>
    %gt3A_265 = arith.cmpf ogt, %mul3A_255, %get3A_4 : vector<16xf32>
    %eq3A_266 = arith.cmpf oeq, %mul3A_255, %get3A_4 : vector<16xf32>
    %add3A_267 = arith.constant 16 : i32
    %add3A_268 = vector.broadcast %add3A_267 : i32 to vector<16xi32>
    %add3A_269 = arith.addi %iota3A, %add3A_268 : vector<16xi32>
    %gt3A_270 = arith.constant 9 : i32
    %gt3A_271 = vector.broadcast %gt3A_270 : i32 to vector<16xi32>
    %gt3A_272 = arith.cmpi sgt, %add3A_269, %gt3A_271 : vector<16xi32>
    %and3A_273 = arith.andi %eq3A_266, %gt3A_272 : vector<16xi1>
    %or3A_274 = arith.ori %gt3A_265, %and3A_273 : vector<16xi1>
    %select_n3A_275 = arith.select %or3A_274, %broadcast_in_dim3A_5, %broadcast_in_dim3A_7 : vector<16xi1>, vector<16xf32>
    %add3A_276 = arith.addf %add3A_253, %select_n3A_275 : vector<16xf32>
    %mul3A_277 = vector.broadcast %squeeze3A_27 : f32 to vector<16xf32>
    %mul3A_278 = arith.mulf %broadcast_in_dim3A_5, %mul3A_277 : vector<16xf32>
    %gt3A_279 = arith.cmpf ogt, %mul3A_278, %get3A_1 : vector<16xf32>
    %eq3A_280 = arith.cmpf oeq, %mul3A_278, %get3A_1 : vector<16xf32>
    %gt3A_281 = arith.constant 10 : i32
    %gt3A_282 = vector.broadcast %gt3A_281 : i32 to vector<16xi32>
    %gt3A_283 = arith.cmpi sgt, %iota3A, %gt3A_282 : vector<16xi32>
    %and3A_284 = arith.andi %eq3A_280, %gt3A_283 : vector<16xi1>
    %or3A_285 = arith.ori %gt3A_279, %and3A_284 : vector<16xi1>
    %select_n3A_286 = arith.select %or3A_285, %broadcast_in_dim3A_5, %broadcast_in_dim3A_7 : vector<16xi1>, vector<16xf32>
    %add3A_287 = arith.addf %add3A_264, %select_n3A_286 : vector<16xf32>
    %gt3A_288 = arith.cmpf ogt, %mul3A_278, %get3A_4 : vector<16xf32>
    %eq3A_289 = arith.cmpf oeq, %mul3A_278, %get3A_4 : vector<16xf32>
    %add3A_290 = arith.constant 16 : i32
    %add3A_291 = vector.broadcast %add3A_290 : i32 to vector<16xi32>
    %add3A_292 = arith.addi %iota3A, %add3A_291 : vector<16xi32>
    %gt3A_293 = arith.constant 10 : i32
    %gt3A_294 = vector.broadcast %gt3A_293 : i32 to vector<16xi32>
    %gt3A_295 = arith.cmpi sgt, %add3A_292, %gt3A_294 : vector<16xi32>
    %and3A_296 = arith.andi %eq3A_289, %gt3A_295 : vector<16xi1>
    %or3A_297 = arith.ori %gt3A_288, %and3A_296 : vector<16xi1>
    %select_n3A_298 = arith.select %or3A_297, %broadcast_in_dim3A_5, %broadcast_in_dim3A_7 : vector<16xi1>, vector<16xf32>
    %add3A_299 = arith.addf %add3A_276, %select_n3A_298 : vector<16xf32>
    %mul3A_300 = vector.broadcast %squeeze3A_29 : f32 to vector<16xf32>
    %mul3A_301 = arith.mulf %broadcast_in_dim3A_5, %mul3A_300 : vector<16xf32>
    %gt3A_302 = arith.cmpf ogt, %mul3A_301, %get3A_1 : vector<16xf32>
    %eq3A_303 = arith.cmpf oeq, %mul3A_301, %get3A_1 : vector<16xf32>
    %gt3A_304 = arith.constant 11 : i32
    %gt3A_305 = vector.broadcast %gt3A_304 : i32 to vector<16xi32>
    %gt3A_306 = arith.cmpi sgt, %iota3A, %gt3A_305 : vector<16xi32>
    %and3A_307 = arith.andi %eq3A_303, %gt3A_306 : vector<16xi1>
    %or3A_308 = arith.ori %gt3A_302, %and3A_307 : vector<16xi1>
    %select_n3A_309 = arith.select %or3A_308, %broadcast_in_dim3A_5, %broadcast_in_dim3A_7 : vector<16xi1>, vector<16xf32>
    %add3A_310 = arith.addf %add3A_287, %select_n3A_309 : vector<16xf32>
    %gt3A_311 = arith.cmpf ogt, %mul3A_301, %get3A_4 : vector<16xf32>
    %eq3A_312 = arith.cmpf oeq, %mul3A_301, %get3A_4 : vector<16xf32>
    %add3A_313 = arith.constant 16 : i32
    %add3A_314 = vector.broadcast %add3A_313 : i32 to vector<16xi32>
    %add3A_315 = arith.addi %iota3A, %add3A_314 : vector<16xi32>
    %gt3A_316 = arith.constant 11 : i32
    %gt3A_317 = vector.broadcast %gt3A_316 : i32 to vector<16xi32>
    %gt3A_318 = arith.cmpi sgt, %add3A_315, %gt3A_317 : vector<16xi32>
    %and3A_319 = arith.andi %eq3A_312, %gt3A_318 : vector<16xi1>
    %or3A_320 = arith.ori %gt3A_311, %and3A_319 : vector<16xi1>
    %select_n3A_321 = arith.select %or3A_320, %broadcast_in_dim3A_5, %broadcast_in_dim3A_7 : vector<16xi1>, vector<16xf32>
    %add3A_322 = arith.addf %add3A_299, %select_n3A_321 : vector<16xf32>
    %mul3A_323 = vector.broadcast %squeeze3A_31 : f32 to vector<16xf32>
    %mul3A_324 = arith.mulf %broadcast_in_dim3A_5, %mul3A_323 : vector<16xf32>
    %gt3A_325 = arith.cmpf ogt, %mul3A_324, %get3A_1 : vector<16xf32>
    %eq3A_326 = arith.cmpf oeq, %mul3A_324, %get3A_1 : vector<16xf32>
    %gt3A_327 = arith.constant 12 : i32
    %gt3A_328 = vector.broadcast %gt3A_327 : i32 to vector<16xi32>
    %gt3A_329 = arith.cmpi sgt, %iota3A, %gt3A_328 : vector<16xi32>
    %and3A_330 = arith.andi %eq3A_326, %gt3A_329 : vector<16xi1>
    %or3A_331 = arith.ori %gt3A_325, %and3A_330 : vector<16xi1>
    %select_n3A_332 = arith.select %or3A_331, %broadcast_in_dim3A_5, %broadcast_in_dim3A_7 : vector<16xi1>, vector<16xf32>
    %add3A_333 = arith.addf %add3A_310, %select_n3A_332 : vector<16xf32>
    %gt3A_334 = arith.cmpf ogt, %mul3A_324, %get3A_4 : vector<16xf32>
    %eq3A_335 = arith.cmpf oeq, %mul3A_324, %get3A_4 : vector<16xf32>
    %add3A_336 = arith.constant 16 : i32
    %add3A_337 = vector.broadcast %add3A_336 : i32 to vector<16xi32>
    %add3A_338 = arith.addi %iota3A, %add3A_337 : vector<16xi32>
    %gt3A_339 = arith.constant 12 : i32
    %gt3A_340 = vector.broadcast %gt3A_339 : i32 to vector<16xi32>
    %gt3A_341 = arith.cmpi sgt, %add3A_338, %gt3A_340 : vector<16xi32>
    %and3A_342 = arith.andi %eq3A_335, %gt3A_341 : vector<16xi1>
    %or3A_343 = arith.ori %gt3A_334, %and3A_342 : vector<16xi1>
    %select_n3A_344 = arith.select %or3A_343, %broadcast_in_dim3A_5, %broadcast_in_dim3A_7 : vector<16xi1>, vector<16xf32>
    %add3A_345 = arith.addf %add3A_322, %select_n3A_344 : vector<16xf32>
    %mul3A_346 = vector.broadcast %squeeze3A_33 : f32 to vector<16xf32>
    %mul3A_347 = arith.mulf %broadcast_in_dim3A_5, %mul3A_346 : vector<16xf32>
    %gt3A_348 = arith.cmpf ogt, %mul3A_347, %get3A_1 : vector<16xf32>
    %eq3A_349 = arith.cmpf oeq, %mul3A_347, %get3A_1 : vector<16xf32>
    %gt3A_350 = arith.constant 13 : i32
    %gt3A_351 = vector.broadcast %gt3A_350 : i32 to vector<16xi32>
    %gt3A_352 = arith.cmpi sgt, %iota3A, %gt3A_351 : vector<16xi32>
    %and3A_353 = arith.andi %eq3A_349, %gt3A_352 : vector<16xi1>
    %or3A_354 = arith.ori %gt3A_348, %and3A_353 : vector<16xi1>
    %select_n3A_355 = arith.select %or3A_354, %broadcast_in_dim3A_5, %broadcast_in_dim3A_7 : vector<16xi1>, vector<16xf32>
    %add3A_356 = arith.addf %add3A_333, %select_n3A_355 : vector<16xf32>
    %gt3A_357 = arith.cmpf ogt, %mul3A_347, %get3A_4 : vector<16xf32>
    %eq3A_358 = arith.cmpf oeq, %mul3A_347, %get3A_4 : vector<16xf32>
    %add3A_359 = arith.constant 16 : i32
    %add3A_360 = vector.broadcast %add3A_359 : i32 to vector<16xi32>
    %add3A_361 = arith.addi %iota3A, %add3A_360 : vector<16xi32>
    %gt3A_362 = arith.constant 13 : i32
    %gt3A_363 = vector.broadcast %gt3A_362 : i32 to vector<16xi32>
    %gt3A_364 = arith.cmpi sgt, %add3A_361, %gt3A_363 : vector<16xi32>
    %and3A_365 = arith.andi %eq3A_358, %gt3A_364 : vector<16xi1>
    %or3A_366 = arith.ori %gt3A_357, %and3A_365 : vector<16xi1>
    %select_n3A_367 = arith.select %or3A_366, %broadcast_in_dim3A_5, %broadcast_in_dim3A_7 : vector<16xi1>, vector<16xf32>
    %add3A_368 = arith.addf %add3A_345, %select_n3A_367 : vector<16xf32>
    %mul3A_369 = vector.broadcast %squeeze3A_35 : f32 to vector<16xf32>
    %mul3A_370 = arith.mulf %broadcast_in_dim3A_5, %mul3A_369 : vector<16xf32>
    %gt3A_371 = arith.cmpf ogt, %mul3A_370, %get3A_1 : vector<16xf32>
    %eq3A_372 = arith.cmpf oeq, %mul3A_370, %get3A_1 : vector<16xf32>
    %gt3A_373 = arith.constant 14 : i32
    %gt3A_374 = vector.broadcast %gt3A_373 : i32 to vector<16xi32>
    %gt3A_375 = arith.cmpi sgt, %iota3A, %gt3A_374 : vector<16xi32>
    %and3A_376 = arith.andi %eq3A_372, %gt3A_375 : vector<16xi1>
    %or3A_377 = arith.ori %gt3A_371, %and3A_376 : vector<16xi1>
    %select_n3A_378 = arith.select %or3A_377, %broadcast_in_dim3A_5, %broadcast_in_dim3A_7 : vector<16xi1>, vector<16xf32>
    %add3A_379 = arith.addf %add3A_356, %select_n3A_378 : vector<16xf32>
    %gt3A_380 = arith.cmpf ogt, %mul3A_370, %get3A_4 : vector<16xf32>
    %eq3A_381 = arith.cmpf oeq, %mul3A_370, %get3A_4 : vector<16xf32>
    %add3A_382 = arith.constant 16 : i32
    %add3A_383 = vector.broadcast %add3A_382 : i32 to vector<16xi32>
    %add3A_384 = arith.addi %iota3A, %add3A_383 : vector<16xi32>
    %gt3A_385 = arith.constant 14 : i32
    %gt3A_386 = vector.broadcast %gt3A_385 : i32 to vector<16xi32>
    %gt3A_387 = arith.cmpi sgt, %add3A_384, %gt3A_386 : vector<16xi32>
    %and3A_388 = arith.andi %eq3A_381, %gt3A_387 : vector<16xi1>
    %or3A_389 = arith.ori %gt3A_380, %and3A_388 : vector<16xi1>
    %select_n3A_390 = arith.select %or3A_389, %broadcast_in_dim3A_5, %broadcast_in_dim3A_7 : vector<16xi1>, vector<16xf32>
    %add3A_391 = arith.addf %add3A_368, %select_n3A_390 : vector<16xf32>
    %mul3A_392 = vector.broadcast %squeeze3A_37 : f32 to vector<16xf32>
    %mul3A_393 = arith.mulf %broadcast_in_dim3A_5, %mul3A_392 : vector<16xf32>
    %gt3A_394 = arith.cmpf ogt, %mul3A_393, %get3A_1 : vector<16xf32>
    %eq3A_395 = arith.cmpf oeq, %mul3A_393, %get3A_1 : vector<16xf32>
    %gt3A_396 = arith.constant 15 : i32
    %gt3A_397 = vector.broadcast %gt3A_396 : i32 to vector<16xi32>
    %gt3A_398 = arith.cmpi sgt, %iota3A, %gt3A_397 : vector<16xi32>
    %and3A_399 = arith.andi %eq3A_395, %gt3A_398 : vector<16xi1>
    %or3A_400 = arith.ori %gt3A_394, %and3A_399 : vector<16xi1>
    %select_n3A_401 = arith.select %or3A_400, %broadcast_in_dim3A_5, %broadcast_in_dim3A_7 : vector<16xi1>, vector<16xf32>
    %add3A_402 = arith.addf %add3A_379, %select_n3A_401 : vector<16xf32>
    %gt3A_403 = arith.cmpf ogt, %mul3A_393, %get3A_4 : vector<16xf32>
    %eq3A_404 = arith.cmpf oeq, %mul3A_393, %get3A_4 : vector<16xf32>
    %add3A_405 = arith.constant 16 : i32
    %add3A_406 = vector.broadcast %add3A_405 : i32 to vector<16xi32>
    %add3A_407 = arith.addi %iota3A, %add3A_406 : vector<16xi32>
    %gt3A_408 = arith.constant 15 : i32
    %gt3A_409 = vector.broadcast %gt3A_408 : i32 to vector<16xi32>
    %gt3A_410 = arith.cmpi sgt, %add3A_407, %gt3A_409 : vector<16xi32>
    %and3A_411 = arith.andi %eq3A_404, %gt3A_410 : vector<16xi1>
    %or3A_412 = arith.ori %gt3A_403, %and3A_411 : vector<16xi1>
    %select_n3A_413 = arith.select %or3A_412, %broadcast_in_dim3A_5, %broadcast_in_dim3A_7 : vector<16xi1>, vector<16xf32>
    %add3A_414 = arith.addf %add3A_391, %select_n3A_413 : vector<16xf32>
    %mul3A_415 = vector.broadcast %squeeze3A_39 : f32 to vector<16xf32>
    %mul3A_416 = arith.mulf %broadcast_in_dim3A_5, %mul3A_415 : vector<16xf32>
    %gt3A_417 = arith.cmpf ogt, %mul3A_416, %get3A_1 : vector<16xf32>
    %eq3A_418 = arith.cmpf oeq, %mul3A_416, %get3A_1 : vector<16xf32>
    %gt3A_419 = arith.constant 16 : i32
    %gt3A_420 = vector.broadcast %gt3A_419 : i32 to vector<16xi32>
    %gt3A_421 = arith.cmpi sgt, %iota3A, %gt3A_420 : vector<16xi32>
    %and3A_422 = arith.andi %eq3A_418, %gt3A_421 : vector<16xi1>
    %or3A_423 = arith.ori %gt3A_417, %and3A_422 : vector<16xi1>
    %select_n3A_424 = arith.select %or3A_423, %broadcast_in_dim3A_5, %broadcast_in_dim3A_7 : vector<16xi1>, vector<16xf32>
    %add3A_425 = arith.addf %add3A_402, %select_n3A_424 : vector<16xf32>
    %gt3A_426 = arith.cmpf ogt, %mul3A_416, %get3A_4 : vector<16xf32>
    %eq3A_427 = arith.cmpf oeq, %mul3A_416, %get3A_4 : vector<16xf32>
    %add3A_428 = arith.constant 16 : i32
    %add3A_429 = vector.broadcast %add3A_428 : i32 to vector<16xi32>
    %add3A_430 = arith.addi %iota3A, %add3A_429 : vector<16xi32>
    %gt3A_431 = arith.constant 16 : i32
    %gt3A_432 = vector.broadcast %gt3A_431 : i32 to vector<16xi32>
    %gt3A_433 = arith.cmpi sgt, %add3A_430, %gt3A_432 : vector<16xi32>
    %and3A_434 = arith.andi %eq3A_427, %gt3A_433 : vector<16xi1>
    %or3A_435 = arith.ori %gt3A_426, %and3A_434 : vector<16xi1>
    %select_n3A_436 = arith.select %or3A_435, %broadcast_in_dim3A_5, %broadcast_in_dim3A_7 : vector<16xi1>, vector<16xf32>
    %add3A_437 = arith.addf %add3A_414, %select_n3A_436 : vector<16xf32>
    %mul3A_438 = vector.broadcast %squeeze3A_41 : f32 to vector<16xf32>
    %mul3A_439 = arith.mulf %broadcast_in_dim3A_5, %mul3A_438 : vector<16xf32>
    %gt3A_440 = arith.cmpf ogt, %mul3A_439, %get3A_1 : vector<16xf32>
    %eq3A_441 = arith.cmpf oeq, %mul3A_439, %get3A_1 : vector<16xf32>
    %gt3A_442 = arith.constant 17 : i32
    %gt3A_443 = vector.broadcast %gt3A_442 : i32 to vector<16xi32>
    %gt3A_444 = arith.cmpi sgt, %iota3A, %gt3A_443 : vector<16xi32>
    %and3A_445 = arith.andi %eq3A_441, %gt3A_444 : vector<16xi1>
    %or3A_446 = arith.ori %gt3A_440, %and3A_445 : vector<16xi1>
    %select_n3A_447 = arith.select %or3A_446, %broadcast_in_dim3A_5, %broadcast_in_dim3A_7 : vector<16xi1>, vector<16xf32>
    %add3A_448 = arith.addf %add3A_425, %select_n3A_447 : vector<16xf32>
    %gt3A_449 = arith.cmpf ogt, %mul3A_439, %get3A_4 : vector<16xf32>
    %eq3A_450 = arith.cmpf oeq, %mul3A_439, %get3A_4 : vector<16xf32>
    %add3A_451 = arith.constant 16 : i32
    %add3A_452 = vector.broadcast %add3A_451 : i32 to vector<16xi32>
    %add3A_453 = arith.addi %iota3A, %add3A_452 : vector<16xi32>
    %gt3A_454 = arith.constant 17 : i32
    %gt3A_455 = vector.broadcast %gt3A_454 : i32 to vector<16xi32>
    %gt3A_456 = arith.cmpi sgt, %add3A_453, %gt3A_455 : vector<16xi32>
    %and3A_457 = arith.andi %eq3A_450, %gt3A_456 : vector<16xi1>
    %or3A_458 = arith.ori %gt3A_449, %and3A_457 : vector<16xi1>
    %select_n3A_459 = arith.select %or3A_458, %broadcast_in_dim3A_5, %broadcast_in_dim3A_7 : vector<16xi1>, vector<16xf32>
    %add3A_460 = arith.addf %add3A_437, %select_n3A_459 : vector<16xf32>
    %mul3A_461 = vector.broadcast %squeeze3A_43 : f32 to vector<16xf32>
    %mul3A_462 = arith.mulf %broadcast_in_dim3A_5, %mul3A_461 : vector<16xf32>
    %gt3A_463 = arith.cmpf ogt, %mul3A_462, %get3A_1 : vector<16xf32>
    %eq3A_464 = arith.cmpf oeq, %mul3A_462, %get3A_1 : vector<16xf32>
    %gt3A_465 = arith.constant 18 : i32
    %gt3A_466 = vector.broadcast %gt3A_465 : i32 to vector<16xi32>
    %gt3A_467 = arith.cmpi sgt, %iota3A, %gt3A_466 : vector<16xi32>
    %and3A_468 = arith.andi %eq3A_464, %gt3A_467 : vector<16xi1>
    %or3A_469 = arith.ori %gt3A_463, %and3A_468 : vector<16xi1>
    %select_n3A_470 = arith.select %or3A_469, %broadcast_in_dim3A_5, %broadcast_in_dim3A_7 : vector<16xi1>, vector<16xf32>
    %add3A_471 = arith.addf %add3A_448, %select_n3A_470 : vector<16xf32>
    %gt3A_472 = arith.cmpf ogt, %mul3A_462, %get3A_4 : vector<16xf32>
    %eq3A_473 = arith.cmpf oeq, %mul3A_462, %get3A_4 : vector<16xf32>
    %add3A_474 = arith.constant 16 : i32
    %add3A_475 = vector.broadcast %add3A_474 : i32 to vector<16xi32>
    %add3A_476 = arith.addi %iota3A, %add3A_475 : vector<16xi32>
    %gt3A_477 = arith.constant 18 : i32
    %gt3A_478 = vector.broadcast %gt3A_477 : i32 to vector<16xi32>
    %gt3A_479 = arith.cmpi sgt, %add3A_476, %gt3A_478 : vector<16xi32>
    %and3A_480 = arith.andi %eq3A_473, %gt3A_479 : vector<16xi1>
    %or3A_481 = arith.ori %gt3A_472, %and3A_480 : vector<16xi1>
    %select_n3A_482 = arith.select %or3A_481, %broadcast_in_dim3A_5, %broadcast_in_dim3A_7 : vector<16xi1>, vector<16xf32>
    %add3A_483 = arith.addf %add3A_460, %select_n3A_482 : vector<16xf32>
    %mul3A_484 = vector.broadcast %squeeze3A_45 : f32 to vector<16xf32>
    %mul3A_485 = arith.mulf %broadcast_in_dim3A_5, %mul3A_484 : vector<16xf32>
    %gt3A_486 = arith.cmpf ogt, %mul3A_485, %get3A_1 : vector<16xf32>
    %eq3A_487 = arith.cmpf oeq, %mul3A_485, %get3A_1 : vector<16xf32>
    %gt3A_488 = arith.constant 19 : i32
    %gt3A_489 = vector.broadcast %gt3A_488 : i32 to vector<16xi32>
    %gt3A_490 = arith.cmpi sgt, %iota3A, %gt3A_489 : vector<16xi32>
    %and3A_491 = arith.andi %eq3A_487, %gt3A_490 : vector<16xi1>
    %or3A_492 = arith.ori %gt3A_486, %and3A_491 : vector<16xi1>
    %select_n3A_493 = arith.select %or3A_492, %broadcast_in_dim3A_5, %broadcast_in_dim3A_7 : vector<16xi1>, vector<16xf32>
    %add3A_494 = arith.addf %add3A_471, %select_n3A_493 : vector<16xf32>
    %gt3A_495 = arith.cmpf ogt, %mul3A_485, %get3A_4 : vector<16xf32>
    %eq3A_496 = arith.cmpf oeq, %mul3A_485, %get3A_4 : vector<16xf32>
    %add3A_497 = arith.constant 16 : i32
    %add3A_498 = vector.broadcast %add3A_497 : i32 to vector<16xi32>
    %add3A_499 = arith.addi %iota3A, %add3A_498 : vector<16xi32>
    %gt3A_500 = arith.constant 19 : i32
    %gt3A_501 = vector.broadcast %gt3A_500 : i32 to vector<16xi32>
    %gt3A_502 = arith.cmpi sgt, %add3A_499, %gt3A_501 : vector<16xi32>
    %and3A_503 = arith.andi %eq3A_496, %gt3A_502 : vector<16xi1>
    %or3A_504 = arith.ori %gt3A_495, %and3A_503 : vector<16xi1>
    %select_n3A_505 = arith.select %or3A_504, %broadcast_in_dim3A_5, %broadcast_in_dim3A_7 : vector<16xi1>, vector<16xf32>
    %add3A_506 = arith.addf %add3A_483, %select_n3A_505 : vector<16xf32>
    %mul3A_507 = vector.broadcast %squeeze3A_47 : f32 to vector<16xf32>
    %mul3A_508 = arith.mulf %broadcast_in_dim3A_5, %mul3A_507 : vector<16xf32>
    %gt3A_509 = arith.cmpf ogt, %mul3A_508, %get3A_1 : vector<16xf32>
    %eq3A_510 = arith.cmpf oeq, %mul3A_508, %get3A_1 : vector<16xf32>
    %gt3A_511 = arith.constant 20 : i32
    %gt3A_512 = vector.broadcast %gt3A_511 : i32 to vector<16xi32>
    %gt3A_513 = arith.cmpi sgt, %iota3A, %gt3A_512 : vector<16xi32>
    %and3A_514 = arith.andi %eq3A_510, %gt3A_513 : vector<16xi1>
    %or3A_515 = arith.ori %gt3A_509, %and3A_514 : vector<16xi1>
    %select_n3A_516 = arith.select %or3A_515, %broadcast_in_dim3A_5, %broadcast_in_dim3A_7 : vector<16xi1>, vector<16xf32>
    %add3A_517 = arith.addf %add3A_494, %select_n3A_516 : vector<16xf32>
    %gt3A_518 = arith.cmpf ogt, %mul3A_508, %get3A_4 : vector<16xf32>
    %eq3A_519 = arith.cmpf oeq, %mul3A_508, %get3A_4 : vector<16xf32>
    %add3A_520 = arith.constant 16 : i32
    %add3A_521 = vector.broadcast %add3A_520 : i32 to vector<16xi32>
    %add3A_522 = arith.addi %iota3A, %add3A_521 : vector<16xi32>
    %gt3A_523 = arith.constant 20 : i32
    %gt3A_524 = vector.broadcast %gt3A_523 : i32 to vector<16xi32>
    %gt3A_525 = arith.cmpi sgt, %add3A_522, %gt3A_524 : vector<16xi32>
    %and3A_526 = arith.andi %eq3A_519, %gt3A_525 : vector<16xi1>
    %or3A_527 = arith.ori %gt3A_518, %and3A_526 : vector<16xi1>
    %select_n3A_528 = arith.select %or3A_527, %broadcast_in_dim3A_5, %broadcast_in_dim3A_7 : vector<16xi1>, vector<16xf32>
    %add3A_529 = arith.addf %add3A_506, %select_n3A_528 : vector<16xf32>
    %mul3A_530 = vector.broadcast %squeeze3A_49 : f32 to vector<16xf32>
    %mul3A_531 = arith.mulf %broadcast_in_dim3A_5, %mul3A_530 : vector<16xf32>
    %gt3A_532 = arith.cmpf ogt, %mul3A_531, %get3A_1 : vector<16xf32>
    %eq3A_533 = arith.cmpf oeq, %mul3A_531, %get3A_1 : vector<16xf32>
    %gt3A_534 = arith.constant 21 : i32
    %gt3A_535 = vector.broadcast %gt3A_534 : i32 to vector<16xi32>
    %gt3A_536 = arith.cmpi sgt, %iota3A, %gt3A_535 : vector<16xi32>
    %and3A_537 = arith.andi %eq3A_533, %gt3A_536 : vector<16xi1>
    %or3A_538 = arith.ori %gt3A_532, %and3A_537 : vector<16xi1>
    %select_n3A_539 = arith.select %or3A_538, %broadcast_in_dim3A_5, %broadcast_in_dim3A_7 : vector<16xi1>, vector<16xf32>
    %add3A_540 = arith.addf %add3A_517, %select_n3A_539 : vector<16xf32>
    %gt3A_541 = arith.cmpf ogt, %mul3A_531, %get3A_4 : vector<16xf32>
    %eq3A_542 = arith.cmpf oeq, %mul3A_531, %get3A_4 : vector<16xf32>
    %add3A_543 = arith.constant 16 : i32
    %add3A_544 = vector.broadcast %add3A_543 : i32 to vector<16xi32>
    %add3A_545 = arith.addi %iota3A, %add3A_544 : vector<16xi32>
    %gt3A_546 = arith.constant 21 : i32
    %gt3A_547 = vector.broadcast %gt3A_546 : i32 to vector<16xi32>
    %gt3A_548 = arith.cmpi sgt, %add3A_545, %gt3A_547 : vector<16xi32>
    %and3A_549 = arith.andi %eq3A_542, %gt3A_548 : vector<16xi1>
    %or3A_550 = arith.ori %gt3A_541, %and3A_549 : vector<16xi1>
    %select_n3A_551 = arith.select %or3A_550, %broadcast_in_dim3A_5, %broadcast_in_dim3A_7 : vector<16xi1>, vector<16xf32>
    %add3A_552 = arith.addf %add3A_529, %select_n3A_551 : vector<16xf32>
    %mul3A_553 = vector.broadcast %squeeze3A_51 : f32 to vector<16xf32>
    %mul3A_554 = arith.mulf %broadcast_in_dim3A_5, %mul3A_553 : vector<16xf32>
    %gt3A_555 = arith.cmpf ogt, %mul3A_554, %get3A_1 : vector<16xf32>
    %eq3A_556 = arith.cmpf oeq, %mul3A_554, %get3A_1 : vector<16xf32>
    %gt3A_557 = arith.constant 22 : i32
    %gt3A_558 = vector.broadcast %gt3A_557 : i32 to vector<16xi32>
    %gt3A_559 = arith.cmpi sgt, %iota3A, %gt3A_558 : vector<16xi32>
    %and3A_560 = arith.andi %eq3A_556, %gt3A_559 : vector<16xi1>
    %or3A_561 = arith.ori %gt3A_555, %and3A_560 : vector<16xi1>
    %select_n3A_562 = arith.select %or3A_561, %broadcast_in_dim3A_5, %broadcast_in_dim3A_7 : vector<16xi1>, vector<16xf32>
    %add3A_563 = arith.addf %add3A_540, %select_n3A_562 : vector<16xf32>
    %gt3A_564 = arith.cmpf ogt, %mul3A_554, %get3A_4 : vector<16xf32>
    %eq3A_565 = arith.cmpf oeq, %mul3A_554, %get3A_4 : vector<16xf32>
    %add3A_566 = arith.constant 16 : i32
    %add3A_567 = vector.broadcast %add3A_566 : i32 to vector<16xi32>
    %add3A_568 = arith.addi %iota3A, %add3A_567 : vector<16xi32>
    %gt3A_569 = arith.constant 22 : i32
    %gt3A_570 = vector.broadcast %gt3A_569 : i32 to vector<16xi32>
    %gt3A_571 = arith.cmpi sgt, %add3A_568, %gt3A_570 : vector<16xi32>
    %and3A_572 = arith.andi %eq3A_565, %gt3A_571 : vector<16xi1>
    %or3A_573 = arith.ori %gt3A_564, %and3A_572 : vector<16xi1>
    %select_n3A_574 = arith.select %or3A_573, %broadcast_in_dim3A_5, %broadcast_in_dim3A_7 : vector<16xi1>, vector<16xf32>
    %add3A_575 = arith.addf %add3A_552, %select_n3A_574 : vector<16xf32>
    %mul3A_576 = vector.broadcast %squeeze3A_53 : f32 to vector<16xf32>
    %mul3A_577 = arith.mulf %broadcast_in_dim3A_5, %mul3A_576 : vector<16xf32>
    %gt3A_578 = arith.cmpf ogt, %mul3A_577, %get3A_1 : vector<16xf32>
    %eq3A_579 = arith.cmpf oeq, %mul3A_577, %get3A_1 : vector<16xf32>
    %gt3A_580 = arith.constant 23 : i32
    %gt3A_581 = vector.broadcast %gt3A_580 : i32 to vector<16xi32>
    %gt3A_582 = arith.cmpi sgt, %iota3A, %gt3A_581 : vector<16xi32>
    %and3A_583 = arith.andi %eq3A_579, %gt3A_582 : vector<16xi1>
    %or3A_584 = arith.ori %gt3A_578, %and3A_583 : vector<16xi1>
    %select_n3A_585 = arith.select %or3A_584, %broadcast_in_dim3A_5, %broadcast_in_dim3A_7 : vector<16xi1>, vector<16xf32>
    %add3A_586 = arith.addf %add3A_563, %select_n3A_585 : vector<16xf32>
    %gt3A_587 = arith.cmpf ogt, %mul3A_577, %get3A_4 : vector<16xf32>
    %eq3A_588 = arith.cmpf oeq, %mul3A_577, %get3A_4 : vector<16xf32>
    %add3A_589 = arith.constant 16 : i32
    %add3A_590 = vector.broadcast %add3A_589 : i32 to vector<16xi32>
    %add3A_591 = arith.addi %iota3A, %add3A_590 : vector<16xi32>
    %gt3A_592 = arith.constant 23 : i32
    %gt3A_593 = vector.broadcast %gt3A_592 : i32 to vector<16xi32>
    %gt3A_594 = arith.cmpi sgt, %add3A_591, %gt3A_593 : vector<16xi32>
    %and3A_595 = arith.andi %eq3A_588, %gt3A_594 : vector<16xi1>
    %or3A_596 = arith.ori %gt3A_587, %and3A_595 : vector<16xi1>
    %select_n3A_597 = arith.select %or3A_596, %broadcast_in_dim3A_5, %broadcast_in_dim3A_7 : vector<16xi1>, vector<16xf32>
    %add3A_598 = arith.addf %add3A_575, %select_n3A_597 : vector<16xf32>
    %lt3A = arith.constant 8 : i32
    %lt3A_599 = vector.broadcast %lt3A : i32 to vector<16xi32>
    %lt3A_600 = arith.cmpi slt, %iota3A, %lt3A_599 : vector<16xi32>
    %lt3A_601 = arith.constant 6.000000e+00 : f32
    %lt3A_602 = vector.broadcast %lt3A_601 : f32 to vector<16xf32>
    %lt3A_603 = arith.cmpf olt, %add3A_586, %lt3A_602 : vector<16xf32>
    %lt3A_604 = arith.constant 6.000000e+00 : f32
    %lt3A_605 = vector.broadcast %lt3A_604 : f32 to vector<16xf32>
    %lt3A_606 = arith.cmpf olt, %add3A_598, %lt3A_605 : vector<16xf32>
    %and3A_607 = arith.andi %lt3A_606, %lt3A_600 : vector<16xi1>
    %max3A = arith.maximumf %squeeze3A, %squeeze3A_9 : f32
    %max3A_608 = arith.maximumf %squeeze3A_11, %squeeze3A_13 : f32
    %max3A_609 = arith.maximumf %squeeze3A_15, %squeeze3A_17 : f32
    %max3A_610 = arith.maximumf %squeeze3A_19, %squeeze3A_21 : f32
    %max3A_611 = arith.maximumf %squeeze3A_23, %squeeze3A_25 : f32
    %max3A_612 = arith.maximumf %squeeze3A_27, %squeeze3A_29 : f32
    %max3A_613 = arith.maximumf %squeeze3A_31, %squeeze3A_33 : f32
    %max3A_614 = arith.maximumf %squeeze3A_35, %squeeze3A_37 : f32
    %max3A_615 = arith.maximumf %squeeze3A_39, %squeeze3A_41 : f32
    %max3A_616 = arith.maximumf %squeeze3A_43, %squeeze3A_45 : f32
    %max3A_617 = arith.maximumf %squeeze3A_47, %squeeze3A_49 : f32
    %max3A_618 = arith.maximumf %squeeze3A_51, %squeeze3A_53 : f32
    %max3A_619 = arith.maximumf %max3A, %max3A_608 : f32
    %max3A_620 = arith.maximumf %max3A_609, %max3A_610 : f32
    %max3A_621 = arith.maximumf %max3A_611, %max3A_612 : f32
    %max3A_622 = arith.maximumf %max3A_613, %max3A_614 : f32
    %max3A_623 = arith.maximumf %max3A_615, %max3A_616 : f32
    %max3A_624 = arith.maximumf %max3A_617, %max3A_618 : f32
    %max3A_625 = arith.maximumf %max3A_619, %max3A_620 : f32
    %max3A_626 = arith.maximumf %max3A_621, %max3A_622 : f32
    %max3A_627 = arith.maximumf %max3A_623, %max3A_624 : f32
    %max3A_628 = arith.maximumf %max3A_625, %max3A_626 : f32
    %max3A_629 = arith.maximumf %max3A_628, %max3A_627 : f32
    %sub3A = vector.broadcast %max3A_629 : f32 to vector<16xf32>
    %sub3A_630 = arith.subf %get3A_1, %sub3A : vector<16xf32>
    %mul3A_631 = arith.constant 2.000000e+00 : f32
    %mul3A_632 = vector.broadcast %mul3A_631 : f32 to vector<16xf32>
    %mul3A_633 = arith.mulf %sub3A_630, %mul3A_632 : vector<16xf32>
    %exp3A = math.exp %mul3A_633 : vector<16xf32>
    %select_n3A_634 = arith.select %lt3A_603, %exp3A, %broadcast_in_dim3A_7 : vector<16xi1>, vector<16xf32>
    %broadcast_in_dim3A_635 = vector.broadcast %max3A_629 : f32 to vector<16xf32>
    %select_n3A_636 = arith.select %lt3A_600, %get3A_4, %broadcast_in_dim3A_635 : vector<16xi1>, vector<16xf32>
    %sub3A_637 = vector.broadcast %max3A_629 : f32 to vector<16xf32>
    %sub3A_638 = arith.subf %select_n3A_636, %sub3A_637 : vector<16xf32>
    %mul3A_639 = arith.constant 2.000000e+00 : f32
    %mul3A_640 = vector.broadcast %mul3A_639 : f32 to vector<16xf32>
    %mul3A_641 = arith.mulf %sub3A_638, %mul3A_640 : vector<16xf32>
    %exp3A_642 = math.exp %mul3A_641 : vector<16xf32>
    %select_n3A_643 = arith.select %and3A_607, %exp3A_642, %broadcast_in_dim3A_7 : vector<16xi1>, vector<16xf32>
    %slice3A_644 = vector.extract_strided_slice %select_n3A_634 {offsets = [0], sizes = [1], strides = [1]} : vector<16xf32> to vector<1xf32>
    %squeeze3A_645 = vector.extract %slice3A_644[0] : f32 from vector<1xf32>
    %slice3A_646 = vector.extract_strided_slice %select_n3A_634 {offsets = [1], sizes = [1], strides = [1]} : vector<16xf32> to vector<1xf32>
    %squeeze3A_647 = vector.extract %slice3A_646[0] : f32 from vector<1xf32>
    %slice3A_648 = vector.extract_strided_slice %select_n3A_634 {offsets = [2], sizes = [1], strides = [1]} : vector<16xf32> to vector<1xf32>
    %squeeze3A_649 = vector.extract %slice3A_648[0] : f32 from vector<1xf32>
    %slice3A_650 = vector.extract_strided_slice %select_n3A_634 {offsets = [3], sizes = [1], strides = [1]} : vector<16xf32> to vector<1xf32>
    %squeeze3A_651 = vector.extract %slice3A_650[0] : f32 from vector<1xf32>
    %slice3A_652 = vector.extract_strided_slice %select_n3A_634 {offsets = [4], sizes = [1], strides = [1]} : vector<16xf32> to vector<1xf32>
    %squeeze3A_653 = vector.extract %slice3A_652[0] : f32 from vector<1xf32>
    %slice3A_654 = vector.extract_strided_slice %select_n3A_634 {offsets = [5], sizes = [1], strides = [1]} : vector<16xf32> to vector<1xf32>
    %squeeze3A_655 = vector.extract %slice3A_654[0] : f32 from vector<1xf32>
    %slice3A_656 = vector.extract_strided_slice %select_n3A_634 {offsets = [6], sizes = [1], strides = [1]} : vector<16xf32> to vector<1xf32>
    %squeeze3A_657 = vector.extract %slice3A_656[0] : f32 from vector<1xf32>
    %slice3A_658 = vector.extract_strided_slice %select_n3A_634 {offsets = [7], sizes = [1], strides = [1]} : vector<16xf32> to vector<1xf32>
    %squeeze3A_659 = vector.extract %slice3A_658[0] : f32 from vector<1xf32>
    %slice3A_660 = vector.extract_strided_slice %select_n3A_634 {offsets = [8], sizes = [1], strides = [1]} : vector<16xf32> to vector<1xf32>
    %squeeze3A_661 = vector.extract %slice3A_660[0] : f32 from vector<1xf32>
    %slice3A_662 = vector.extract_strided_slice %select_n3A_634 {offsets = [9], sizes = [1], strides = [1]} : vector<16xf32> to vector<1xf32>
    %squeeze3A_663 = vector.extract %slice3A_662[0] : f32 from vector<1xf32>
    %slice3A_664 = vector.extract_strided_slice %select_n3A_634 {offsets = [10], sizes = [1], strides = [1]} : vector<16xf32> to vector<1xf32>
    %squeeze3A_665 = vector.extract %slice3A_664[0] : f32 from vector<1xf32>
    %slice3A_666 = vector.extract_strided_slice %select_n3A_634 {offsets = [11], sizes = [1], strides = [1]} : vector<16xf32> to vector<1xf32>
    %squeeze3A_667 = vector.extract %slice3A_666[0] : f32 from vector<1xf32>
    %slice3A_668 = vector.extract_strided_slice %select_n3A_634 {offsets = [12], sizes = [1], strides = [1]} : vector<16xf32> to vector<1xf32>
    %squeeze3A_669 = vector.extract %slice3A_668[0] : f32 from vector<1xf32>
    %slice3A_670 = vector.extract_strided_slice %select_n3A_634 {offsets = [13], sizes = [1], strides = [1]} : vector<16xf32> to vector<1xf32>
    %squeeze3A_671 = vector.extract %slice3A_670[0] : f32 from vector<1xf32>
    %slice3A_672 = vector.extract_strided_slice %select_n3A_634 {offsets = [14], sizes = [1], strides = [1]} : vector<16xf32> to vector<1xf32>
    %squeeze3A_673 = vector.extract %slice3A_672[0] : f32 from vector<1xf32>
    %slice3A_674 = vector.extract_strided_slice %select_n3A_634 {offsets = [15], sizes = [1], strides = [1]} : vector<16xf32> to vector<1xf32>
    %squeeze3A_675 = vector.extract %slice3A_674[0] : f32 from vector<1xf32>
    %slice3A_676 = vector.extract_strided_slice %select_n3A_643 {offsets = [0], sizes = [1], strides = [1]} : vector<16xf32> to vector<1xf32>
    %squeeze3A_677 = vector.extract %slice3A_676[0] : f32 from vector<1xf32>
    %slice3A_678 = vector.extract_strided_slice %select_n3A_643 {offsets = [1], sizes = [1], strides = [1]} : vector<16xf32> to vector<1xf32>
    %squeeze3A_679 = vector.extract %slice3A_678[0] : f32 from vector<1xf32>
    %slice3A_680 = vector.extract_strided_slice %select_n3A_643 {offsets = [2], sizes = [1], strides = [1]} : vector<16xf32> to vector<1xf32>
    %squeeze3A_681 = vector.extract %slice3A_680[0] : f32 from vector<1xf32>
    %slice3A_682 = vector.extract_strided_slice %select_n3A_643 {offsets = [3], sizes = [1], strides = [1]} : vector<16xf32> to vector<1xf32>
    %squeeze3A_683 = vector.extract %slice3A_682[0] : f32 from vector<1xf32>
    %slice3A_684 = vector.extract_strided_slice %select_n3A_643 {offsets = [4], sizes = [1], strides = [1]} : vector<16xf32> to vector<1xf32>
    %squeeze3A_685 = vector.extract %slice3A_684[0] : f32 from vector<1xf32>
    %slice3A_686 = vector.extract_strided_slice %select_n3A_643 {offsets = [5], sizes = [1], strides = [1]} : vector<16xf32> to vector<1xf32>
    %squeeze3A_687 = vector.extract %slice3A_686[0] : f32 from vector<1xf32>
    %slice3A_688 = vector.extract_strided_slice %select_n3A_643 {offsets = [6], sizes = [1], strides = [1]} : vector<16xf32> to vector<1xf32>
    %squeeze3A_689 = vector.extract %slice3A_688[0] : f32 from vector<1xf32>
    %slice3A_690 = vector.extract_strided_slice %select_n3A_643 {offsets = [7], sizes = [1], strides = [1]} : vector<16xf32> to vector<1xf32>
    %squeeze3A_691 = vector.extract %slice3A_690[0] : f32 from vector<1xf32>
    %add3A_692 = arith.addf %squeeze3A_645, %squeeze3A_647 : f32
    %add3A_693 = arith.addf %squeeze3A_649, %squeeze3A_651 : f32
    %add3A_694 = arith.addf %squeeze3A_653, %squeeze3A_655 : f32
    %add3A_695 = arith.addf %squeeze3A_657, %squeeze3A_659 : f32
    %add3A_696 = arith.addf %squeeze3A_661, %squeeze3A_663 : f32
    %add3A_697 = arith.addf %squeeze3A_665, %squeeze3A_667 : f32
    %add3A_698 = arith.addf %squeeze3A_669, %squeeze3A_671 : f32
    %add3A_699 = arith.addf %squeeze3A_673, %squeeze3A_675 : f32
    %add3A_700 = arith.addf %squeeze3A_677, %squeeze3A_679 : f32
    %add3A_701 = arith.addf %squeeze3A_681, %squeeze3A_683 : f32
    %add3A_702 = arith.addf %squeeze3A_685, %squeeze3A_687 : f32
    %add3A_703 = arith.addf %squeeze3A_689, %squeeze3A_691 : f32
    %add3A_704 = arith.addf %add3A_692, %add3A_693 : f32
    %add3A_705 = arith.addf %add3A_694, %add3A_695 : f32
    %add3A_706 = arith.addf %add3A_696, %add3A_697 : f32
    %add3A_707 = arith.addf %add3A_698, %add3A_699 : f32
    %add3A_708 = arith.addf %add3A_700, %add3A_701 : f32
    %add3A_709 = arith.addf %add3A_702, %add3A_703 : f32
    %add3A_710 = arith.addf %add3A_704, %add3A_705 : f32
    %add3A_711 = arith.addf %add3A_706, %add3A_707 : f32
    %add3A_712 = arith.addf %add3A_708, %add3A_709 : f32
    %add3A_713 = arith.addf %add3A_710, %add3A_711 : f32
    %add3A_714 = arith.addf %add3A_713, %add3A_712 : f32
    %mul3A_715 = vector.broadcast %add3A_714 : f32 to vector<16xf32>
    %mul3A_716 = arith.mulf %broadcast_in_dim3A_5, %mul3A_715 : vector<16xf32>
    %div3A = arith.divf %select_n3A_634, %mul3A_716 : vector<16xf32>
    %div3A_717 = arith.divf %select_n3A_643, %mul3A_716 : vector<16xf32>
    %swap3A = arith.constant 0 : index
    %swap3A_718 = tpu.vector_load %arg5[%swap3A] {strides = array<i32>} : memref<256xf32, #tpu.memory_space<vmem>>, vector<16xf32>,
    %swap3A_719 = vector.shape_cast %swap3A_718 : vector<16xf32> to vector<16xf32>
    %swap3A_720 = vector.shape_cast %div3A : vector<16xf32> to vector<16xf32>
    tpu.vector_store %arg5[%swap3A], %swap3A_720 {strides = array<i32>} : memref<256xf32, #tpu.memory_space<vmem>>, vector<16xf32>,
    %swap3A_721 = arith.constant 16 : index
    %swap3A_722 = tpu.vector_load %arg5[%swap3A_721] {strides = array<i32>} : memref<256xf32, #tpu.memory_space<vmem>>, vector<16xf32>,
    %swap3A_723 = vector.shape_cast %swap3A_722 : vector<16xf32> to vector<16xf32>
    %swap3A_724 = vector.shape_cast %div3A_717 : vector<16xf32> to vector<16xf32>
    tpu.vector_store %arg5[%swap3A_721], %swap3A_724 {strides = array<i32>} : memref<256xf32, #tpu.memory_space<vmem>>, vector<16xf32>,
    %swap3A_725 = arith.constant 32 : index
    %swap3A_726 = tpu.vector_load %arg5[%swap3A_725] {strides = array<i32>} : memref<256xf32, #tpu.memory_space<vmem>>, vector<16xf32>,
    %swap3A_727 = vector.shape_cast %swap3A_726 : vector<16xf32> to vector<16xf32>
    %swap3A_728 = vector.shape_cast %div3A : vector<16xf32> to vector<16xf32>
    tpu.vector_store %arg5[%swap3A_725], %swap3A_728 {strides = array<i32>} : memref<256xf32, #tpu.memory_space<vmem>>, vector<16xf32>,
    %swap3A_729 = arith.constant 48 : index
    %swap3A_730 = tpu.vector_load %arg5[%swap3A_729] {strides = array<i32>} : memref<256xf32, #tpu.memory_space<vmem>>, vector<16xf32>,
    %swap3A_731 = vector.shape_cast %swap3A_730 : vector<16xf32> to vector<16xf32>
    %swap3A_732 = vector.shape_cast %div3A_717 : vector<16xf32> to vector<16xf32>
    tpu.vector_store %arg5[%swap3A_729], %swap3A_732 {strides = array<i32>} : memref<256xf32, #tpu.memory_space<vmem>>, vector<16xf32>,
    %swap3A_733 = arith.constant 64 : index
    %swap3A_734 = tpu.vector_load %arg5[%swap3A_733] {strides = array<i32>} : memref<256xf32, #tpu.memory_space<vmem>>, vector<16xf32>,
    %swap3A_735 = vector.shape_cast %swap3A_734 : vector<16xf32> to vector<16xf32>
    %swap3A_736 = vector.shape_cast %div3A : vector<16xf32> to vector<16xf32>
    tpu.vector_store %arg5[%swap3A_733], %swap3A_736 {strides = array<i32>} : memref<256xf32, #tpu.memory_space<vmem>>, vector<16xf32>,
    %swap3A_737 = arith.constant 80 : index
    %swap3A_738 = tpu.vector_load %arg5[%swap3A_737] {strides = array<i32>} : memref<256xf32, #tpu.memory_space<vmem>>, vector<16xf32>,
    %swap3A_739 = vector.shape_cast %swap3A_738 : vector<16xf32> to vector<16xf32>
    %swap3A_740 = vector.shape_cast %div3A_717 : vector<16xf32> to vector<16xf32>
    tpu.vector_store %arg5[%swap3A_737], %swap3A_740 {strides = array<i32>} : memref<256xf32, #tpu.memory_space<vmem>>, vector<16xf32>,
    %swap3A_741 = arith.constant 96 : index
    %swap3A_742 = tpu.vector_load %arg5[%swap3A_741] {strides = array<i32>} : memref<256xf32, #tpu.memory_space<vmem>>, vector<16xf32>,
    %swap3A_743 = vector.shape_cast %swap3A_742 : vector<16xf32> to vector<16xf32>
    %swap3A_744 = vector.shape_cast %div3A : vector<16xf32> to vector<16xf32>
    tpu.vector_store %arg5[%swap3A_741], %swap3A_744 {strides = array<i32>} : memref<256xf32, #tpu.memory_space<vmem>>, vector<16xf32>,
    %swap3A_745 = arith.constant 112 : index
    %swap3A_746 = tpu.vector_load %arg5[%swap3A_745] {strides = array<i32>} : memref<256xf32, #tpu.memory_space<vmem>>, vector<16xf32>,
    %swap3A_747 = vector.shape_cast %swap3A_746 : vector<16xf32> to vector<16xf32>
    %swap3A_748 = vector.shape_cast %div3A_717 : vector<16xf32> to vector<16xf32>
    tpu.vector_store %arg5[%swap3A_745], %swap3A_748 {strides = array<i32>} : memref<256xf32, #tpu.memory_space<vmem>>, vector<16xf32>,
    %swap3A_749 = arith.constant 128 : index
    %swap3A_750 = tpu.vector_load %arg5[%swap3A_749] {strides = array<i32>} : memref<256xf32, #tpu.memory_space<vmem>>, vector<16xf32>,
    %swap3A_751 = vector.shape_cast %swap3A_750 : vector<16xf32> to vector<16xf32>
    %swap3A_752 = vector.shape_cast %div3A : vector<16xf32> to vector<16xf32>
    tpu.vector_store %arg5[%swap3A_749], %swap3A_752 {strides = array<i32>} : memref<256xf32, #tpu.memory_space<vmem>>, vector<16xf32>,
    %swap3A_753 = arith.constant 144 : index
    %swap3A_754 = tpu.vector_load %arg5[%swap3A_753] {strides = array<i32>} : memref<256xf32, #tpu.memory_space<vmem>>, vector<16xf32>,
    %swap3A_755 = vector.shape_cast %swap3A_754 : vector<16xf32> to vector<16xf32>
    %swap3A_756 = vector.shape_cast %div3A_717 : vector<16xf32> to vector<16xf32>
    tpu.vector_store %arg5[%swap3A_753], %swap3A_756 {strides = array<i32>} : memref<256xf32, #tpu.memory_space<vmem>>, vector<16xf32>,
    %swap3A_757 = arith.constant 160 : index
    %swap3A_758 = tpu.vector_load %arg5[%swap3A_757] {strides = array<i32>} : memref<256xf32, #tpu.memory_space<vmem>>, vector<16xf32>,
    %swap3A_759 = vector.shape_cast %swap3A_758 : vector<16xf32> to vector<16xf32>
    %swap3A_760 = vector.shape_cast %div3A : vector<16xf32> to vector<16xf32>
    tpu.vector_store %arg5[%swap3A_757], %swap3A_760 {strides = array<i32>} : memref<256xf32, #tpu.memory_space<vmem>>, vector<16xf32>,
    %swap3A_761 = arith.constant 176 : index
    %swap3A_762 = tpu.vector_load %arg5[%swap3A_761] {strides = array<i32>} : memref<256xf32, #tpu.memory_space<vmem>>, vector<16xf32>,
    %swap3A_763 = vector.shape_cast %swap3A_762 : vector<16xf32> to vector<16xf32>
    %swap3A_764 = vector.shape_cast %div3A_717 : vector<16xf32> to vector<16xf32>
    tpu.vector_store %arg5[%swap3A_761], %swap3A_764 {strides = array<i32>} : memref<256xf32, #tpu.memory_space<vmem>>, vector<16xf32>,
    %swap3A_765 = arith.constant 192 : index
    %swap3A_766 = tpu.vector_load %arg5[%swap3A_765] {strides = array<i32>} : memref<256xf32, #tpu.memory_space<vmem>>, vector<16xf32>,
    %swap3A_767 = vector.shape_cast %swap3A_766 : vector<16xf32> to vector<16xf32>
    %swap3A_768 = vector.shape_cast %div3A : vector<16xf32> to vector<16xf32>
    tpu.vector_store %arg5[%swap3A_765], %swap3A_768 {strides = array<i32>} : memref<256xf32, #tpu.memory_space<vmem>>, vector<16xf32>,
    %swap3A_769 = arith.constant 208 : index
    %swap3A_770 = tpu.vector_load %arg5[%swap3A_769] {strides = array<i32>} : memref<256xf32, #tpu.memory_space<vmem>>, vector<16xf32>,
    %swap3A_771 = vector.shape_cast %swap3A_770 : vector<16xf32> to vector<16xf32>
    %swap3A_772 = vector.shape_cast %div3A_717 : vector<16xf32> to vector<16xf32>
    tpu.vector_store %arg5[%swap3A_769], %swap3A_772 {strides = array<i32>} : memref<256xf32, #tpu.memory_space<vmem>>, vector<16xf32>,
    %swap3A_773 = arith.constant 224 : index
    %swap3A_774 = tpu.vector_load %arg5[%swap3A_773] {strides = array<i32>} : memref<256xf32, #tpu.memory_space<vmem>>, vector<16xf32>,
    %swap3A_775 = vector.shape_cast %swap3A_774 : vector<16xf32> to vector<16xf32>
    %swap3A_776 = vector.shape_cast %div3A : vector<16xf32> to vector<16xf32>
    tpu.vector_store %arg5[%swap3A_773], %swap3A_776 {strides = array<i32>} : memref<256xf32, #tpu.memory_space<vmem>>, vector<16xf32>,
    %swap3A_777 = arith.constant 240 : index
    %swap3A_778 = tpu.vector_load %arg5[%swap3A_777] {strides = array<i32>} : memref<256xf32, #tpu.memory_space<vmem>>, vector<16xf32>,
    %swap3A_779 = vector.shape_cast %swap3A_778 : vector<16xf32> to vector<16xf32>
    %swap3A_780 = vector.shape_cast %div3A_717 : vector<16xf32> to vector<16xf32>
    tpu.vector_store %arg5[%swap3A_777], %swap3A_780 {strides = array<i32>} : memref<256xf32, #tpu.memory_space<vmem>>, vector<16xf32>,
    "tpu.region"() ({
      %run_scoped3A = tpu.sem_alloc : memref<!tpu.dma_semaphore, #tpu.memory_space<semaphore_mem>>
      %dma_start3A = arith.constant 0 : i32
      %dma_start3A_781 = tpu.memref_slice %arg3[%arg1, %dma_start3A] : memref<2x256xf32, #tpu.memory_space<hbm>> -> memref<1x256xf32, #tpu.memory_space<hbm>>
      %dma_start3A_782 = tpu.memref_squeeze %dma_start3A_781 : memref<1x256xf32, #tpu.memory_space<hbm>> -> memref<256xf32, #tpu.memory_space<hbm>>
      %dma_start3A_783 = arith.constant 0 : i32
      %dma_start3A_784 = tpu.memref_slice %arg3[%arg1, %dma_start3A_783] : memref<2x256xf32, #tpu.memory_space<hbm>> -> memref<1x256xf32, #tpu.memory_space<hbm>>
      %dma_start3A_785 = tpu.memref_squeeze %dma_start3A_784 : memref<1x256xf32, #tpu.memory_space<hbm>> -> memref<256xf32, #tpu.memory_space<hbm>>
      tpu.enqueue_dma source(%arg5 : memref<256xf32, #tpu.memory_space<vmem>>) target(%dma_start3A_785 : memref<256xf32, #tpu.memory_space<hbm>>) target_semaphore(%run_scoped3A : memref<!tpu.dma_semaphore, #tpu.memory_space<semaphore_mem>>)
      %dma_wait3A = arith.constant 0 : i32
      %dma_wait3A_786 = tpu.memref_slice %arg3[%arg1, %dma_wait3A] : memref<2x256xf32, #tpu.memory_space<hbm>> -> memref<1x256xf32, #tpu.memory_space<hbm>>
      %dma_wait3A_787 = tpu.memref_squeeze %dma_wait3A_786 : memref<1x256xf32, #tpu.memory_space<hbm>> -> memref<256xf32, #tpu.memory_space<hbm>>
      %dma_wait3A_788 = arith.constant 0 : i32
      %dma_wait3A_789 = tpu.memref_slice %arg3[%arg1, %dma_wait3A_788] : memref<2x256xf32, #tpu.memory_space<hbm>> -> memref<1x256xf32, #tpu.memory_space<hbm>>
      %dma_wait3A_790 = tpu.memref_squeeze %dma_wait3A_789 : memref<1x256xf32, #tpu.memory_space<hbm>> -> memref<256xf32, #tpu.memory_space<hbm>>
      tpu.wait_dma2 semaphore(%run_scoped3A : memref<!tpu.dma_semaphore, #tpu.memory_space<semaphore_mem>>) src(%arg5 : memref<256xf32, #tpu.memory_space<vmem>>) dst(%dma_wait3A_790 : memref<256xf32, #tpu.memory_space<hbm>>)
      tpu.yield
    }) : () -> ()
    return
  }
}

</mosaic_0001>

<sc_bundles>
// kernel: kernel.3.cloned.1.call-start
scs
__scs_entry_jumppad:
0x0: {  	(pc) =	sbr.rel $0x88, $3  }
0x1: {  	(tag) =	ssettag $0x0;
	lr =	simm.s32 $0x1  }
0x2: {  	[smem:$0x3FA0] =	sst lr;
	_ =	strace $0xD0000000  }
0x3: {  	_ = 	snop  }
0x4: {  	_ = 	snop  }
0x5: {  	_ = 	snop  }
0x6: {  	_ = 	snop  }
0x7: {  	_ = 	snop  }
__scs_overlays_trampoline_lowered:
0x8: {  	[smem:$0x3FAF] =	sst s0  }
0x9: {  	[smem:$0x3FB0] =	sst s1  }
0xa: {  	[smem:$0x3FB1] =	sst s2  }
0xb: {  	[smem:$0x3FB2] =	sst s3  }
0xc: {  	[smem:$0x3FB3] =	sst s4  }
0xd: {  	[smem:$0x3FB4] =	sst s5  }
0xe: {  	[smem:$0x3FB5] =	sst s6  }
0xf: {  	[smem:$0x3FB6] =	sst s7  }
0x10: {  	[smem:$0x3FB7] =	sst s8  }
0x11: {  	[smem:$0x3FB8] =	sst s9;
	s0 =	simm.s32 @!p0 $0x0  }
0x12: {  	s1 =	sld [smem:$0x3F9E];
	s0 =	simm.s32 @p0 $0x1  }
0x13: {  	[smem:$0x3FB9] =	sst s0;
	s0 =	simm.s32 @!p1 $0x0  }
0x14: {  	s2 =	sld [smem:$0x3F9D];
	s0 =	simm.s32 @p1 $0x1  }
0x15: {  	[smem:$0x3FBA] =	sst s0;
	s0 =	simm.s32 @!p2 $0x0  }
0x16: {  	s3 =	sld [smem:$0x3FDB];
	s0 =	simm.s32 @p2 $0x1  }
0x17: {  	s4 =	simm.s32 $0x1BF5;
	[smem:$0x3FBC] =	sst s0  }
0x18: {  	s0 =	sld [smem:$0x3F9F];
	_ =	swait.ge [sflag:s4], $0x0  }
0x19: {  	s7 =	sld [smem:$0x3FA0]  }
0x1a: {  	s8 =	sadd.s32 $0xFFFFE003, lr  }
0x1b: {  	s9 =	sadd.s32 $0xFFFFFEF7, lr;
	s5 =	simm.s32 $0xFFFFFFFF;
	p2 =	slt.u32 s8, $0xFFFFF086  }
0x1c: {  	p1 =	slt.u32 s9, $0xF7A;
	s5 =	simm.s32 @!p2 $0x0  }
0x1d: {  	s5 =	simm.s32 @p1 $0x1;
	p0 =	seq.s32 s7, s2  }
0x1e: {  	s7 =	smul.u32 @!p0 $0xF7A, s2;
	p2 =	seq.s32 @!p0 s5, $0x0  }
0x1f: {  	s9 =	smul.u32 $0xF7A, s1;
	s8 =	simm.s32 @!p0 $0x1BF5;
	p2 =	por !p2, p0  }
0x20: {  	[sflag:s8] =	ssyncset.s32 @!p0 $0xFFFFF086;
	s6 =	sadd.s32 @!p0 s3, s7;
	s7 =	simm.s32 @!p0 $0x108  }
0x21: {  	s3 =	sadd.s32 s3, s9;
	s6 =	sadd.s32 @!p0 $0x88, s6;
	s7 =	simm.s32 @p2 $0x1082  }
0x22: {  	[simem:s7], [sflag:s8] =	dma.local @!p0 [hbm:s6], $0xF7A  }
0x23: {  	s9 =	sor.u32 $0xD0000000, s2;
	s6 =	simm.s32 $0x108;
	_ =	swait.ge @!p0 [sflag:s8], $0x0  }
0x24: {  	s3 =	sadd.s32 $0x88, s3;
	s6 =	simm.s32 @!p1 $0x1082;
	[sflag:s4] =	ssyncset.s32 $0xFFFFF086  }
0x25: {  	[simem:s6], [sflag:s4] =	dma.local [hbm:s3], $0xF7A  }
0x26: {  	[smem:$0x3FA0] =	sst s1;
	(tag) =	ssettag s2;
	_ =	strace s9  }
0x27: {  	s1 =	sld [smem:$0x3FB0]  }
0x28: {  	s2 =	sld [smem:$0x3FB1]  }
0x29: {  	s4 =	sld [smem:$0x3FB3]  }
0x2a: {  	p0 =	seq.s32 s5, $0x0;
	s5 =	sld [smem:$0x3FB4]  }
0x2b: {  	s6 =	sld [smem:$0x3FB5]  }
0x2c: {  	s7 =	sld [smem:$0x3FB6]  }
0x2d: {  	s3 =	simm.s32 $0x108;
	s8 =	sld [smem:$0x3FB7]  }
0x2e: {  	s3 =	simm.s32 @!p0 $0x1082;
	s9 =	sld [smem:$0x3FB8]  }
0x2f: {  	lr =	sadd.s32 s0, s3;
	s0 =	sld [smem:$0x3FAF]  }
0x30: {  	s3 =	sld [smem:$0x3FB2]  }
0x31: {  	[smem:$0x3FBB] =	sst s10  }
0x32: {  	s10 =	sld [smem:$0x3FB9];
	_ =	sdelay $0x3  }
0x33: {  	p0 =	seq.s32 s10, $0x1;
	s10 =	sld [smem:$0x3FBB];
	_ =	sdelay $0x3  }
0x34: {  	[smem:$0x3FBB] =	sst s10  }
0x35: {  	s10 =	sld [smem:$0x3FBA];
	_ =	sdelay $0x3  }
0x36: {  	p1 =	seq.s32 s10, $0x1;
	s10 =	sld [smem:$0x3FBB];
	_ =	sdelay $0x3  }
0x37: {  	[smem:$0x3FBB] =	sst s10  }
0x38: {  	s10 =	sld [smem:$0x3FBC]  }
0x39: {  	_ = 	snop;
	(pc) =	sbr.ind lr, $3  }
0x3a: {  	_ = 	snop  }
0x3b: {  	_ = 	snop  }
0x3c: {  	p2 =	seq.s32 s10, $0x1;
	s10 =	sld [smem:$0x3FBB]  }
0x3d: {  	_ =	shalt  }
0x3e: {  	_ =	shalt  }
0x3f: {  	_ =	shalt  }
0x40: {  	_ =	shalt  }
0x41: {  	_ =	shalt  }
0x42: {  	_ =	shalt  }
0x43: {  	_ =	shalt  }
0x44: {  	_ =	shalt  }
0x45: {  	_ =	shalt  }
0x46: {  	_ =	shalt  }
0x47: {  	_ =	shalt  }
0x48: {  	_ =	shalt  }
0x49: {  	_ =	shalt  }
0x4a: {  	_ =	shalt  }
0x4b: {  	_ =	shalt  }
0x4c: {  	_ =	shalt  }
0x4d: {  	_ =	shalt  }
0x4e: {  	_ =	shalt  }
0x4f: {  	_ =	shalt  }
0x50: {  	_ =	shalt  }
0x51: {  	_ =	shalt  }
0x52: {  	_ =	shalt  }
0x53: {  	_ =	shalt  }
0x54: {  	_ =	shalt  }
0x55: {  	_ =	shalt  }
0x56: {  	_ =	shalt  }
0x57: {  	_ =	shalt  }
0x58: {  	_ =	shalt  }
0x59: {  	_ =	shalt  }
0x5a: {  	_ =	shalt  }
0x5b: {  	_ =	shalt  }
0x5c: {  	_ =	shalt  }
0x5d: {  	_ =	shalt  }
0x5e: {  	_ =	shalt  }
0x5f: {  	_ =	shalt  }
0x60: {  	_ =	shalt  }
0x61: {  	_ =	shalt  }
0x62: {  	_ =	shalt  }
0x63: {  	_ =	shalt  }
0x64: {  	_ =	shalt  }
0x65: {  	_ =	shalt  }
0x66: {  	_ =	shalt  }
0x67: {  	_ =	shalt  }
0x68: {  	_ =	shalt  }
0x69: {  	_ =	shalt  }
0x6a: {  	_ =	shalt  }
0x6b: {  	_ =	shalt  }
0x6c: {  	_ =	shalt  }
0x6d: {  	_ =	shalt  }
0x6e: {  	_ =	shalt  }
0x6f: {  	_ =	shalt  }
0x70: {  	_ =	shalt  }
0x71: {  	_ =	shalt  }
0x72: {  	_ =	shalt  }
0x73: {  	_ =	shalt  }
0x74: {  	_ =	shalt  }
0x75: {  	_ =	shalt  }
0x76: {  	_ =	shalt  }
0x77: {  	_ =	shalt  }
0x78: {  	_ =	shalt  }
0x79: {  	_ =	shalt  }
0x7a: {  	_ =	shalt  }
0x7b: {  	_ =	shalt  }
0x7c: {  	_ =	shalt  }
0x7d: {  	_ =	shalt  }
0x7e: {  	_ =	shalt  }
0x7f: {  	_ =	shalt  }
0x80: {  	_ =	shalt  }
0x81: {  	_ =	shalt  }
0x82: {  	_ =	shalt  }
0x83: {  	_ =	shalt  }
0x84: {  	_ =	shalt  }
0x85: {  	_ =	shalt  }
0x86: {  	_ =	shalt  }
0x87: {  	_ =	shalt  }
.Lfunc_end0:
.L_simem_size_0:
called_computation_lowered:
.L_overlay_start_0:
0x88: {  	s0 =	sld [smem:$0x3FD9]  }
0x89: {  	s1 =	sld [smem:$0x3FFE];
	_ =	sdelay $0x3  }
0x8a: {  	s0 =	sadd.s32 s1, s0  }
0x8b: {  	[smem:$0x3FC7] =	sst s0  }
0x8c: {  	_ = 	snop  }
0x8d: {  	s0 =	sld [smem:$0x3FD0];
	(tm) =	ssettm $0x1  }
0x8e: {  	s16 =	sld [smem:$0x3FFB];
	_ =	sdelay $0x3  }
0x8f: {  	_ =	strace s16  }
0x90: {  	s1 =	sld [smem:$0x3FFC];
	_ =	sdelay $0x3  }
0x91: {  	_ =	strace s1  }
0x92: {  	s1 =	sld [smem:$0x3FFD];
	_ =	sdelay $0x3  }
0x93: {  	_ =	strace s1  }
0x94: {  	_ =	strace $0x8FFFFFFF  }
0x95: {  	s17 =	sld [smem:$0x3FDB];
	_ =	sdelay $0x1  }
0x96: {  	s2 =	simm.s32 $_scs_section_size  }
0x97: {  	s3 =	simm.s32 $_size__tile_overlayer_lowered;
	s4 =	simm.s32 $_tile_overlayer_lowered  }
0x98: {  	s20 =	simm.s32 $0x1BFF;
	s19 =	sshll.u32 s4, $0x1;
	s1 =	sadd.s32 s2, s17  }
0x99: {  	s5 =	simm.s32 $0x0;
	s18 =	sshll.u32 s3, $0x1;
	s3 =	sadd.s32 s19, s1  }
0x9a: {  	[timem:s5], [sflag:s20] =	dma.local [hbm:s3], s18  }
0x9b: {  	_ =	swait.ge [sflag:s20], s18  }
0x9c: {  	s2 =	ssub.s32 $0x0, s18;
	[sflag:s20] =	ssyncset.done $0x0  }
0x9d: {  	[sflag:s20] =	ssyncadd.s32 s2;
	_ =	sdelay $0x1  }
0x9e: {  	s21 =	simm.s32 $0x1B8B  }
0x9f: {  	_ =	swait.ge [sflag:s21], $0x1  }
0xa0: {  	[sflag:s21] =	ssyncset.done $0x0  }
0xa1: {  	s23 =	simm.s32 $0x1B8E;
	s22 =	sld [smem:$0x3FFE];
	[sflag:s21] =	ssyncadd.s32 $0xFFFFFFFF  }
0xa2: {  	s24 =	simm.s32 $execute0_lowered;
	[smem:$0x3FD2] =	sst s23  }
0xa3: {  	s3 =	sshll.u32 s24, $0x1;
	_ =	strace $0x80000046;
	[dreg:$0x1] =	wrdreg $0xFFFFFFFF  }
0xa4: {  	s25 =	simm.s32 $_size_execute0_lowered;
	s1 =	sadd.s32 s1, s3;
	[dreg:$0x0] =	wrdreg $0x0  }
0xa5: {  	s3 =	sshll.u32 s25, $0x1;
	[dreg:$0x2] =	wrdreg s1  }
0xa6: {  	[dreg:$0x3] =	wrdreg s3  }
0xa7: {  	[dreg:$0x4] =	wrdreg $0xC0  }
0xa8: {  	_ =	task [dreg:s5], $0x5FFFF  }
0xa9: {  	[dreg:$0x1] =	wrdreg $0xFFFFFFFF  }
0xaa: {  	[dreg:$0x0] =	wrdreg $0x60  }
0xab: {  	[dreg:$0x2] =	wrdreg s22  }
0xac: {  	[dreg:$0x3] =	wrdreg s0  }
0xad: {  	[dreg:$0x4] =	wrdreg $0x9  }
0xae: {  	_ =	task.clear_ibuf [dreg:s5], $0x5FFFF;
	_ =	strace $0x90000046  }
0xaf: {  	s26 =	simm.s32 $0x9;
	_ =	strace $0x80000048  }
0xb0: {  	_ =	swait.ge [sflag:s26], $0x1  }
0xb1: {  	[sflag:s26] =	ssyncadd.s32 $0xFFFFFFFF  }
0xb2: {  	_ =	strace $0x90000048  }
0xb3: {  	_ =	sfence  }
0xb4: {  	s28 =	sld [smem:$0x0];
	_ =	sdelay $0x1  }
0xb5: {  	s29 =	srdreg.scid  }
0xb6: {  	s30 =	sshll.u32 s29, $0xD;
	s31 =	sshrl.u32 s29, $0x2  }
0xb7: {  	s2 =	sand.u32 $0x4000, s30;
	s1 =	sand.u32 $0x1, s29;
	s0 =	sadd.s32 s31, s28  }
0xb8: {  	s1 =	sor.u32 s2, s1;
	s0 =	sshll.u32 s0, $0x11  }
0xb9: {  	s0 =	sor.u32 s0, s1  }
0xba: {  	s0 =	sadd.s32 $0x8F2B, s0  }
0xbb: {  	[sflag:s0] =	ssyncadd.remote.s32 $0x1  }
0xbc: {  	_ =	sfence.sel $0xFFFF  }
0xbd: {  	[dreg:$0x0] =	wrdreg $0xFFFFFFFF;
	(pc) =	sbr.abs _section_cstart, $3  }
0xbe: {  	[dreg:$0x1] =	wrdreg $0xFFFFFFFF  }
0xbf: {  	_ =	task.clear_ibuf [dreg:s5], $0x2FFFF;
	_ =	strace $0x9FFFFFFF  }
0xc0: {  	(tm) =	ssettm $0x7FFFFFFF  }
0xc1: {  	_ =	shalt  }
tec
execute0_lowered:
.L_overlay_start_1:
0x0: {  	(tag) =	ssettag $0x1  }
0x1: {  	s1 =	stileid.u32  }
0x2: {  	p0 =	sgt.u32 s1, $0x1  }
.Ltmp0:
0x3: {  	_ = 	snop;
	(pc) =	sbr.rel @p0 .LBB2_2-.Ltmp0, $4  }
0x4: {  	s3 =	rddreg [dreg:$0x0]  }
0x5: {  	s2 =	rddreg [dreg:$0x1];
	s5 =	simm.s32 $0x0  }
0x6: {  	[smem:$0x7FF] =	sst s5  }
0x7: {  	s0 =	rddreg [dreg:$0x2];
	_ =	strace $0x80000047  }
0x8: {  	s3 =	sadd.s32 $0x600, s3;
	s4 =	sshll.u32 s1, $0x4  }
0x9: {  	s3 =	sadd.s32 s3, s4  }
0xa: {  	[tilespmem:s5], [sflag:$0x1] =	stream.linear.gather [hbm4b:s3+s5], $0x80, $0x38;
	[tilespmem:$0x180] =	vst v63  }
0xb: {  	s3 =	simm.s32 $0x1  }
0xc: {  	_ =	swait.ge [sflag:s3], $0x80  }
0xd: {  	[sflag:s3] =	ssyncset.done $0x0  }
0xe: {  	[sflag:s3] =	ssyncadd.s32 $0xFFFFFF80  }
0xf: {  	v2 =	vld [tilespmem:$0x0];
	_ =	sdelay $0x4  }
0x10: {  	v3 =	vbroadcast v2, $0x0;
	v4 =	vbroadcast v2, $0x1  }
0x11: {  	v49 =	vbroadcast v2, $0x2;
	v50 =	vbroadcast v2, $0x3  }
0x12: {  	v52 =	vbroadcast v2, $0x4;
	v55 =	vbroadcast v2, $0x5  }
0x13: {  	v0 =	vld [tilespmem:$0x10];
	v58 =	vbroadcast v2, $0x6;
	v61 =	vbroadcast v2, $0x7  }
0x14: {  	v9 =	vbroadcast v2, $0x8;
	v12 =	vbroadcast v2, $0x9  }
0x15: {  	vm7 =	vcmask $0x3F04;
	v15 =	vbroadcast v2, $0xA;
	v18 =	vbroadcast v2, $0xB  }
0x16: {  	vm6 =	vcmask $0x3F08;
	v8 =	vbroadcast v2, $0xC;
	v23 =	vbroadcast v2, $0xD  }
0x17: {  	v1 =	vimm.f32 $0.0e+00;
	v25 =	vbroadcast v2, $0xE;
	v29 =	vbroadcast v2, $0xF  }
0x18: {  	vm5 =	vcmask $0x3F0C;
	v31 =	vbroadcast v0, $0x0;
	v34 =	vbroadcast v0, $0x1  }
0x19: {  	(v2sf) =	vpush v2, $0x0;
	v37 =	vbroadcast v0, $0x2;
	v41 =	vbroadcast v0, $0x3  }
0x1a: {  	v43 =	vbroadcast v0, $0x4;
	v45 =	vbroadcast v0, $0x5;
	(v2sf) =	vpush v2, $0x1  }
0x1b: {  	v47 =	vbroadcast v0, $0x6;
	(v2sf) =	vpush v2, $0x2;
	vm0 =	veq.f32 v3, v2  }
0x1c: {  	vm1 =	vgt.f32 v3, v2;
	vm14 =	veq.f32 v4, v2;
	vm2 =	vgt.f32 v4, v2  }
0x1d: {  	vm3 =	vge.f32 v3, v0;
	vm15 =	veq.f32 v49, v2;
	vm8 =	vge.f32 v4, v0  }
0x1e: {  	vm9 =	vgt.f32 v49, v2;
	vm10 =	veq.f32 v50, v2;
	vm11 =	vge.f32 v49, v0  }
0x1f: {  	vm12 =	vgt.f32 v50, v2;
	vm13 =	veq.f32 v52, v2;
	vm4 =	vgt.f32 v52, v2  }
0x20: {  	v49 =	vbroadcast v0, $0x7;
	(v2sf) =	vpush v2, $0x3;
	vm0 =	vmand vm0, vm7  }
0x21: {  	v6 =	vsel vm3, $0x3F800000, v1;
	v4 =	vsel vm8, $0x3F800000, v1;
	v3 =	vsel vm11, $0x3F800000, v1  }
0x22: {  	vm8 =	vgt.f32 v55, v2;
	vm11 =	vgt.f32 v41, v2;
	(v2sf) =	vpush v2, $0x4  }
0x23: {  	vm0 =	vmor vm1, vm0;
	vm1 =	vmand vm14, vm6;
	v4 =	vadd.f32 v4, v6  }
0x24: {  	vm14 =	vge.f32 v50, v0;
	v44 =	vsel vm11, $0x3F800000, v1;
	vm11 =	vgt.f32 v43, v0  }
0x25: {  	(v2sf) =	vpush v2, $0x5;
	vm1 =	vmor vm2, vm1;
	v5 =	vsel vm0, $0x3F800000, v1  }
0x26: {  	vm0 =	vmand vm15, vm5;
	v54 =	vsel vm14, $0x3F800000, v1;
	vm15 =	veq.f32 v55, v2  }
0x27: {  	vm14 =	vge.f32 v55, v0;
	(v2sf) =	vpush v2, $0x6;
	v7 =	vsel vm1, $0x3F800000, v1  }
0x28: {  	vm0 =	vmor vm9, vm0;
	vm1 =	vcmask $0x3F10;
	v3 =	vadd.f32 v4, v3  }
0x29: {  	vm9 =	vgt.f32 v58, v2;
	v60 =	vsel vm14, $0x3F800000, v1;
	vm14 =	vcmask $0x3F24  }
0x2a: {  	(v2sf) =	vpush v2, $0x7;
	v5 =	vadd.f32 v7, v5;
	v51 =	vsel vm0, $0x3F800000, v1  }
0x2b: {  	vm0 =	vmand vm10, vm1;
	vm10 =	vgt.f32 v61, v2;
	(v2sf) =	vpush v2, $0x8  }
0x2c: {  	vm0 =	vmor vm12, vm0;
	v3 =	vadd.f32 v3, v54;
	vm12 =	vge.f32 v52, v0  }
0x2d: {  	(v2sf) =	vpush v2, $0x9;
	v5 =	vadd.f32 v5, v51;
	v53 =	vsel vm0, $0x3F800000, v1  }
0x2e: {  	vm0 =	vcmask $0x3F14;
	v57 =	vsel vm12, $0x3F800000, v1;
	vm12 =	vge.f32 v58, v0  }
0x2f: {  	(v2sf) =	vpush v2, $0xA;
	vm2 =	vmand vm13, vm0;
	v3 =	vadd.f32 v3, v57  }
0x30: {  	vm13 =	veq.f32 v58, v2;
	v63 =	vsel vm12, $0x3F800000, v1;
	vm12 =	vgt.f32 v9, v2  }
0x31: {  	(v2sf) =	vpush v2, $0xB;
	v4 =	vadd.f32 v5, v53;
	vm2 =	vmor vm4, vm2  }
0x32: {  	(v2sf) =	vpush v2, $0xC;
	v56 =	vsel vm2, $0x3F800000, v1;
	v3 =	vadd.f32 v3, v60  }
0x33: {  	vm2 =	vcmask $0x3F18;
	(v2sf) =	vpush v2, $0xD;
	v4 =	vadd.f32 v4, v56  }
0x34: {  	vm3 =	vmand vm15, vm2;
	vm15 =	veq.f32 v61, v2;
	(v2sf) =	vpush v2, $0xE  }
0x35: {  	vm3 =	vmor vm8, vm3;
	v3 =	vadd.f32 v3, v63;
	(v2sf) =	vpush v2, $0xF  }
0x36: {  	v59 =	vsel vm3, $0x3F800000, v1;
	vm3 =	vcmask $0x3F1C;
	(v2sf) =	vpush v0, $0x0  }
0x37: {  	v4 =	vadd.f32 v4, v59;
	vm4 =	vmand vm13, vm3;
	vm13 =	veq.f32 v9, v2  }
0x38: {  	(v2sf) =	vpush v0, $0x1;
	vm4 =	vmor vm9, vm4;
	vm9 =	vgt.f32 v37, v0  }
0x39: {  	(v2sf) =	vpush v0, $0x2;
	v62 =	vsel vm4, $0x3F800000, v1;
	vm4 =	vcmask $0x3F20  }
0x3a: {  	(v2sf) =	vpush v0, $0x3;
	v4 =	vadd.f32 v4, v62;
	vm8 =	vmand vm15, vm4  }
0x3b: {  	s20 =	spop (v2sf);
	vm15 =	vge.f32 v61, v0;
	(v2sf) =	vpush v0, $0x4;
	vm8 =	vmor vm10, vm8  }
0x3c: {  	v11 =	vsel vm15, $0x3F800000, v1;
	vm15 =	vge.f32 v9, v0;
	vm10 =	veq.f32 v37, v0  }
0x3d: {  	s6 =	spop (v2sf);
	(v2sf) =	vpush v0, $0x5;
	v10 =	vsel vm8, $0x3F800000, v1;
	vm8 =	vmand vm13, vm14  }
0x3e: {  	s7 =	spop (v2sf);
	v3 =	vadd.f32 v3, v11;
	vm13 =	veq.f32 v12, v2;
	vm14 =	vcmask $0x3F28  }
0x3f: {  	s8 =	spop (v2sf);
	v14 =	vsel vm15, $0x3F800000, v1;
	vm15 =	vge.f32 v12, v0;
	vm5 =	vmand vm10, vm5  }
0x40: {  	s9 =	spop (v2sf);
	vm10 =	vgt.f32 v49, v2;
	v4 =	vadd.f32 v4, v10;
	vm8 =	vmor vm12, vm8  }
0x41: {  	s10 =	spop (v2sf);
	(v2sf) =	vpush v0, $0x6;
	vm12 =	vgt.f32 v12, v2;
	v17 =	vsel vm15, $0x3F800000, v1  }
0x42: {  	s11 =	spop (v2sf);
	vm15 =	vcmask $0x3F30;
	vm5 =	vmor vm9, vm5;
	v13 =	vsel vm8, $0x3F800000, v1  }
0x43: {  	s12 =	spop (v2sf);
	vm8 =	vmand vm13, vm14;
	(v2sf) =	vpush v0, $0x7;
	v3 =	vadd.f32 v3, v14  }
0x44: {  	s5 =	smax.f32 s20, s6;
	vm13 =	veq.f32 v15, v2;
	vm14 =	vcmask $0x3F2C;
	s13 =	spop (v2sf);
	vm8 =	vmor vm12, vm8  }
0x45: {  	s7 =	smax.f32 s7, s8;
	v4 =	vadd.f32 v4, v13;
	vm12 =	vgt.f32 v15, v2;
	s14 =	spop (v2sf);
	v16 =	vsel vm8, $0x3F800000, v1  }
0x46: {  	s5 =	smax.f32 s5, s7;
	vm8 =	vmand vm13, vm14;
	v3 =	vadd.f32 v3, v17;
	vm13 =	vge.f32 v15, v0;
	s15 =	spop (v2sf)  }
0x47: {  	s9 =	smax.f32 s9, s10;
	vm14 =	veq.f32 v18, v2;
	v4 =	vadd.f32 v4, v16;
	vm8 =	vmor vm12, vm8;
	s16 =	spop (v2sf)  }
0x48: {  	s11 =	smax.f32 s11, s12;
	v6 =	vsel vm13, $0x3F800000, v1;
	vm12 =	vgt.f32 v18, v2;
	vm13 =	veq.f32 v8, v2;
	s17 =	spop (v2sf)  }
0x49: {  	s9 =	smax.f32 s9, s11;
	v19 =	vsel vm8, $0x3F800000, v1;
	vm8 =	vmand vm14, vm15;
	v3 =	vadd.f32 v3, v6;
	s18 =	spop (v2sf)  }
0x4a: {  	s13 =	smax.f32 s13, s14;
	vm14 =	vcmask $0x3F34;
	vm15 =	vge.f32 v18, v0;
	v4 =	vadd.f32 v4, v19;
	s21 =	spop (v2sf)  }
0x4b: {  	s5 =	smax.f32 s5, s9;
	vm8 =	vmor vm12, vm8;
	vm12 =	vgt.f32 v8, v2;
	v21 =	vsel vm15, $0x3F800000, v1;
	s22 =	spop (v2sf)  }
0x4c: {  	s15 =	smax.f32 s15, s16;
	vm15 =	vcmask $0x3F38;
	v20 =	vsel vm8, $0x3F800000, v1;
	vm8 =	vmand vm13, vm14;
	s23 =	spop (v2sf)  }
0x4d: {  	s11 =	smax.f32 s13, s15;
	vm13 =	vge.f32 v8, v0;
	vm14 =	veq.f32 v23, v2;
	v4 =	vadd.f32 v4, v20;
	s24 =	spop (v2sf)  }
0x4e: {  	s17 =	smax.f32 s17, s18;
	vm8 =	vmor vm12, vm8;
	v24 =	vsel vm13, $0x3F800000, v1;
	vm12 =	vgt.f32 v23, v2;
	s25 =	spop (v2sf)  }
0x4f: {  	vm13 =	veq.f32 v25, v2;
	v22 =	vsel vm8, $0x3F800000, v1;
	vm8 =	vmand vm14, vm15;
	s6 =	smax.f32 s21, s22;
	s26 =	spop (v2sf)  }
0x50: {  	vm14 =	vcmask $0x3F3C;
	v4 =	vadd.f32 v4, v22;
	vm8 =	vmor vm12, vm8;
	s6 =	smax.f32 s17, s6;
	s28 =	spop (v2sf)  }
0x51: {  	vm15 =	vmand vm13, vm14;
	vm12 =	vgt.f32 v25, v2;
	v26 =	vsel vm8, $0x3F800000, v1;
	s10 =	smax.f32 s23, s24;
	s29 =	spop (v2sf)  }
0x52: {  	vm9 =	vgt.f32 v41, v0;
	vm8 =	vmor vm12, vm15;
	s6 =	smax.f32 s11, s6;
	v4 =	vadd.f32 v4, v26;
	s30 =	spop (v2sf)  }
0x53: {  	v52 =	vsel vm10, $0x3F800000, v1;
	v3 =	vadd.f32 v3, v21;
	v28 =	vsel vm8, $0x3F800000, v1;
	s14 =	smax.f32 s25, s26;
	s31 =	spop (v2sf)  }
0x54: {  	vm10 =	veq.f32 v47, v0;
	vm15 =	vgt.f32 v29, v2;
	v4 =	vadd.f32 v4, v28;
	s8 =	smax.f32 s28, s29;
	s12 =	smax.f32 s30, s31  }
0x55: {  	v10 =	vsel vm5, $0x3F800000, v1;
	v3 =	vadd.f32 v3, v24;
	v32 =	vsel vm15, $0x3F800000, v1;
	s10 =	smax.f32 s10, s14;
	s8 =	smax.f32 s8, s12  }
0x56: {  	vm12 =	vge.f32 v29, v0;
	vm15 =	vgt.f32 v31, v2;
	s5 =	smax.f32 s5, s6;
	v4 =	vadd.f32 v4, v32;
	s13 =	smax.f32 s10, s8  }
0x57: {  	vm13 =	vge.f32 v23, v0;
	v33 =	vsel vm12, $0x3F800000, v1;
	v6 =	vsel vm15, $0x3F800000, v1;
	s5 =	smax.f32 s5, s13  }
0x58: {  	vm12 =	vgt.f32 v34, v2;
	v4 =	vadd.f32 v4, v6;
	v38 =	vmov s5  }
0x59: {  	vm14 =	vge.f32 v25, v0;
	v36 =	vsel vm12, $0x3F800000, v1;
	v9 =	vsub.f32 v2, v38  }
0x5a: {  	v27 =	vsel vm13, $0x3F800000, v1;
	vm15 =	vgt.f32 v37, v2;
	v4 =	vadd.f32 v4, v36  }
0x5b: {  	v30 =	vsel vm14, $0x3F800000, v1;
	v40 =	vsel vm15, $0x3F800000, v1;
	v42 =	vadd.f32 v9, v9  }
0x5c: {  	vm13 =	veq.f32 v31, v0;
	vm14 =	vgt.f32 v31, v0;
	v4 =	vadd.f32 v4, v40  }
0x5d: {  	v3 =	vadd.f32 v3, v27;
	vm7 =	vmand vm13, vm7;
	v7 =	vmul.f32 $1.442695020e+00, v42  }
0x5e: {  	vm13 =	veq.f32 v34, v0;
	vm12 =	vgt.f32 v43, v2;
	v4 =	vadd.f32 v4, v44  }
0x5f: {  	vm6 =	vmand vm13, vm6;
	v46 =	vsel vm12, $0x3F800000, v1;
	(erf) = vpow2.f32 v7  }
0x60: {  	vm13 =	vgt.f32 v45, v2;
	v3 =	vadd.f32 v3, v30;
	v4 =	vadd.f32 v4, v46  }
0x61: {  	vm7 =	vmor vm14, vm7;
	vm14 =	vgt.f32 v34, v0;
	v48 =	vsel vm13, $0x3F800000, v1  }
0x62: {  	vm15 =	vgt.f32 v47, v2;
	v3 =	vadd.f32 v3, v33;
	v4 =	vadd.f32 v4, v48  }
0x63: {  	v35 =	vsel vm7, $0x3F800000, v1;
	vm6 =	vmor vm14, vm6;
	v50 =	vsel vm15, $0x3F800000, v1  }
0x64: {  	vm14 =	veq.f32 v41, v0;
	v3 =	vadd.f32 v3, v35;
	v4 =	vadd.f32 v4, v50  }
0x65: {  	vm12 =	veq.f32 v43, v0;
	v39 =	vsel vm6, $0x3F800000, v1;
	vm1 =	vmand vm14, vm1  }
0x66: {  	vm0 =	vmand vm12, vm0;
	v3 =	vadd.f32 v3, v39;
	v53 =	vadd.f32 v4, v52  }
0x67: {  	vm14 =	vgt.f32 v45, v0;
	vm15 =	veq.f32 v45, v0;
	vm1 =	vmor vm9, vm1  }
0x68: {  	v54 =	vsel vm4, s5, v0;
	v3 =	vadd.f32 v3, v10;
	vm13 =	vlt.f32 v53, $6.000000000e+00;
	v56 =	vpop (erf)  }
0x69: {  	v51 =	vsel vm1, $0x3F800000, v1;
	v55 =	vsub.f32 v54, v38;
	v4 =	vnsel vm13, $0x0, v56  }
0x6a: {  	vm12 =	veq.f32 v49, v0;
	v2 =	vadd.f32 v3, v51;
	(v2sf) =	vpush v4, $0x0  }
0x6b: {  	vm0 =	vmor vm11, vm0;
	v3 =	vadd.f32 v55, v55;
	(v2sf) =	vpush v4, $0x1  }
0x6c: {  	vm8 =	vmand vm15, vm2;
	vm9 =	vgt.f32 v47, v0;
	(v2sf) =	vpush v4, $0x2  }
0x6d: {  	vm11 =	vmand vm10, vm3;
	v3 =	vmul.f32 $1.442695020e+00, v3;
	(v2sf) =	vpush v4, $0x3  }
0x6e: {  	v57 =	vsel vm0, $0x3F800000, v1;
	vm0 =	vmor vm14, vm8;
	(v2sf) =	vpush v4, $0x4  }
0x6f: {  	v2 =	vadd.f32 v2, v57;
	(erf) = vpow2.f32 v3;
	(v2sf) =	vpush v4, $0x5  }
0x70: {  	v58 =	vsel vm0, $0x3F800000, v1;
	vm0 =	vmor vm9, vm11;
	(v2sf) =	vpush v4, $0x6  }
0x71: {  	v59 =	vsel vm0, $0x3F800000, v1;
	v2 =	vadd.f32 v2, v58;
	(v2sf) =	vpush v4, $0x7  }
0x72: {  	vm0 =	vmand vm12, vm4;
	vm13 =	vgt.f32 v49, v0;
	(v2sf) =	vpush v4, $0x8  }
0x73: {  	v60 =	vadd.f32 v2, v59;
	vm0 =	vmor vm13, vm0;
	(v2sf) =	vpush v4, $0x9  }
0x74: {  	v1 =	vsel vm0, $0x3F800000, v1;
	(v2sf) =	vpush v4, $0xA  }
0x75: {  	v0 =	vadd.f32 v60, v1;
	(v2sf) =	vpush v4, $0xB  }
0x76: {  	(v2sf) =	vpush v4, $0xC  }
0x77: {  	vm15 =	vmmov $0xff;
	vm14 =	vlt.f32 v0, $6.000000000e+00;
	(v2sf) =	vpush v4, $0xD  }
0x78: {  	vm0 =	vmand vm14, vm15;
	v61 =	vpop (erf);
	(v2sf) =	vpush v4, $0xE  }
0x79: {  	v0 =	vnsel vm0, $0x0, v61;
	s14 =	spop (v2sf);
	(v2sf) =	vpush v4, $0xF  }
0x7a: {  	s15 =	spop (v2sf);
	(v2sf) =	vpush v0, $0x0  }
0x7b: {  	s16 =	spop (v2sf);
	(v2sf) =	vpush v0, $0x1  }
0x7c: {  	s17 =	spop (v2sf);
	(v2sf) =	vpush v0, $0x2  }
0x7d: {  	s18 =	spop (v2sf);
	(v2sf) =	vpush v0, $0x3  }
0x7e: {  	s19 =	spop (v2sf);
	(v2sf) =	vpush v0, $0x4  }
0x7f: {  	s20 =	spop (v2sf);
	(v2sf) =	vpush v0, $0x5  }
0x80: {  	s5 =	sadd.f32 s15, s14;
	s21 =	spop (v2sf);
	(v2sf) =	vpush v0, $0x6  }
0x81: {  	s7 =	sadd.f32 s17, s16;
	s22 =	spop (v2sf);
	(v2sf) =	vpush v0, $0x7  }
0x82: {  	s9 =	sadd.f32 s19, s18;
	s23 =	spop (v2sf)  }
0x83: {  	s5 =	sadd.f32 s7, s5;
	s24 =	spop (v2sf)  }
0x84: {  	s11 =	sadd.f32 s21, s20;
	s25 =	spop (v2sf)  }
0x85: {  	s13 =	sadd.f32 s23, s22;
	s26 =	spop (v2sf)  }
0x86: {  	s15 =	sadd.f32 s25, s24;
	s28 =	spop (v2sf)  }
0x87: {  	s25 =	sadd.f32 s11, s9;
	s29 =	spop (v2sf)  }
0x88: {  	s6 =	sadd.f32 s28, s26;
	s30 =	spop (v2sf)  }
0x89: {  	s26 =	sadd.f32 s15, s13;
	s31 =	spop (v2sf)  }
0x8a: {  	s5 =	sadd.f32 s25, s5;
	s18 =	spop (v2sf)  }
0x8b: {  	s8 =	sadd.f32 s30, s29;
	s19 =	spop (v2sf)  }
0x8c: {  	s12 =	sadd.f32 s18, s31;
	s20 =	spop (v2sf)  }
0x8d: {  	s6 =	sadd.f32 s8, s6;
	s21 =	spop (v2sf)  }
0x8e: {  	s16 =	sadd.f32 s20, s19;
	s22 =	spop (v2sf)  }
0x8f: {  	s6 =	sadd.f32 s6, s26;
	s23 =	spop (v2sf)  }
0x90: {  	s10 =	sadd.f32 s22, s21;
	s24 =	spop (v2sf)  }
0x91: {  	s14 =	sadd.f32 s24, s23  }
0x92: {  	s28 =	sadd.f32 s16, s12  }
0x93: {  	s10 =	sadd.f32 s14, s10  }
0x94: {  	s5 =	sadd.f32 s6, s5  }
0x95: {  	s29 =	sadd.f32 s10, s28;
	_ =	sdelay $0x1  }
0x96: {  	s5 =	sadd.f32 s5, s29;
	_ =	sdelay $0x1  }
0x97: {  	v62 =	vmov s5  }
0x98: {  	(erf) = vrcp.f32 v62;
	_ =	sdelay $0x8  }
0x99: {  	v1 =	vpop (erf)  }
0x9a: {  	v63 =	vmul.f32 v1, v4  }
0x9b: {  	v0 =	vmul.f32 v1, v0  }
0x9c: {  	[tilespmem:$0x80] =	vst v63  }
0x9d: {  	[tilespmem:$0x90] =	vst v0  }
0x9e: {  	[tilespmem:$0xA0] =	vst v63  }
0x9f: {  	[tilespmem:$0xB0] =	vst v0  }
0xa0: {  	[tilespmem:$0xC0] =	vst v63  }
0xa1: {  	[tilespmem:$0xD0] =	vst v0  }
0xa2: {  	[tilespmem:$0xE0] =	vst v63  }
0xa3: {  	[tilespmem:$0xF0] =	vst v0  }
0xa4: {  	[tilespmem:$0x100] =	vst v63  }
0xa5: {  	[tilespmem:$0x110] =	vst v0  }
0xa6: {  	[tilespmem:$0x120] =	vst v63  }
0xa7: {  	[tilespmem:$0x130] =	vst v0  }
0xa8: {  	[tilespmem:$0x140] =	vst v63  }
0xa9: {  	[tilespmem:$0x150] =	vst v0  }
0xaa: {  	[tilespmem:$0x160] =	vst v63  }
0xab: {  	s2 =	sadd.s32 s2, s4;
	s30 =	simm.s32 $0x100;
	s31 =	simm.s32 $0x80;
	[tilespmem:$0x170] =	vst v0  }
0xac: {  	[hbm4b:s2+s31] =	stream.strided.scatter [tilespmem:s31], [sflag:$0x1], $0x100, s30, s31, $0x38;
	[tilespmem:$0x180] =	vst v63  }
0xad: {  	_ =	swait.ge [sflag:s3], $0x100  }
0xae: {  	[sflag:s3] =	ssyncset.done $0x0  }
0xaf: {  	[sflag:s3] =	ssyncadd.s32 $0xFFFFFF00  }
.LBB2_2:
0xb0: {  	_ =	sfence.sel $0x180000  }
0xb1: {  	[bflag:$0x0] =	sbarrier.arrive $0xFFFF  }
0xb2: {  	p0 =	sne.s32 s1, $0x0;
	_ =	strace $0x90000047  }
0xb3: {  	s0 =	sadd.s32 @!p0 $0x100000, s0;
	[bflag:$0x2] =	sbarrier.arrive $0xFFFF  }
0xb4: {  	[sflag:s0] =	ssyncadd.tile.s32 @!p0 $0x1;
	_ =	shalt  }
.Lfunc_end2:
_tile_overlayer_lowered:
.L_overlay_start_2:
0xb5: {  	(tag) =	ssettag $0x2  }
0xb6: {  	s0 =	rddreg [dreg:$0x0];
	s2 =	stileid.u32  }
0xb7: {  	s1 =	rddreg [dreg:$0x1];
	p0 =	sne.s32 s2, $0x0  }
0xb8: {  	s3 =	rddreg [dreg:$0x2];
	[bflag:$0x3] =	sbarrier.arrive $0xFFFF;
	s2 =	simm.s32 @!p0 $0x1C01  }
0xb9: {  	[timem:s3], [sflag:s2] =	dma.local @!p0 [hbm:s0], s1  }
0xba: {  	s0 =	simm.s32 @!p0 $0x1  }
0xbb: {  	_ =	swait.ge @!p0 [sflag:s0], s1  }
0xbc: {  	s1 =	ssub.s32 @!p0 $0x0, s1;
	[sflag:s0] =	ssyncset.done @!p0 $0x0  }
0xbd: {  	[sflag:s0] =	ssyncadd.s32 @!p0 s1  }
0xbe: {  	[bflag:$0x3] =	sbarrier.arrive $0xFFFF  }
0xbf: {  	_ =	shalt  }

</sc_bundles>
